<compile_context>
chip_gen: v7x
topology: tpu7x:2x2x1
jax: 0.10.2.dev20260603
libtpu: 0.0.44.dev20260713+nightly
codegen_flags: <defaults>
</compile_context>

<pallas_src>
import functools

import jax
import jax.numpy as jnp
from jax import lax
from jax.experimental import pallas as pl
from jax.experimental.pallas import tpu as pltpu
from jax.experimental.pallas import tpu_sc as plsc

EMBEDDING_DIM = 64
PADDED_DIM = 128
NUM_TOKENS = 4096 * 200
NUM_WORKERS = 32
ROWS_PER_WORKER = NUM_TOKENS // NUM_WORKERS
CHUNK = 200
NUM_CHUNKS = ROWS_PER_WORKER // CHUNK
LANES = 16
NBUF = 2

_MESH = plsc.VectorSubcoreMesh(core_axis_name="c", subcore_axis_name="s")


@functools.partial(
    pl.kernel,
    mesh=_MESH,
    out_type=jax.ShapeDtypeStruct((NUM_TOKENS // 8, 8, EMBEDDING_DIM), jnp.float32),
    scratch_types=[
        pltpu.VMEM((ROWS_PER_WORKER,), jnp.int32),
        [pltpu.VMEM((CHUNK, PADDED_DIM), jnp.float32) for _ in range(NBUF)],
        [pltpu.VMEM((CHUNK // 8, 8, EMBEDDING_DIM), jnp.float32) for _ in range(NBUF)],
        [pltpu.SemaphoreType.DMA for _ in range(NBUF)],
        [pltpu.SemaphoreType.DMA for _ in range(NBUF)],
    ],
    compiler_params=pltpu.CompilerParams(use_tc_tiling_on_sc=True),
)
def _gather_kernel(tok_hbm, table_hbm, out_hbm, idx_v, rows, cbufs, gsems, ssems):
    wid = lax.axis_index("s") * 2 + lax.axis_index("c")
    base = wid * ROWS_PER_WORKER

    pltpu.sync_copy(tok_hbm.at[pl.ds(base, ROWS_PER_WORKER)], idx_v)

    def fire_gather(c, slot):
        pltpu.async_copy(
            table_hbm.at[idx_v.at[pl.ds(c * CHUNK, CHUNK)]], rows[slot],
            gsems[slot],
        )

    def wait_gather(slot):
        pltpu.make_async_copy(
            table_hbm.at[pl.ds(0, CHUNK)], rows[slot], gsems[slot]
        ).wait()

    def fire_store(c, slot):
        pltpu.async_copy(
            cbufs[slot],
            out_hbm.at[pl.ds((base + c * CHUNK) // 8, CHUNK // 8)],
            ssems[slot],
        )

    def wait_store(slot):
        pltpu.make_async_copy(
            cbufs[slot], out_hbm.at[pl.ds(0, CHUNK // 8)], ssems[slot]
        ).wait()

    def extract(slot):
        def tile_body(q, carry):
            for r in range(8):
                for g in range(4):
                    vals = rows[slot][q * 8 + r, pl.ds(g * LANES, LANES)]
                    cbufs[slot][q, r, pl.ds(g * LANES, LANES)] = vals
            return carry

        lax.fori_loop(0, CHUNK // 8, tile_body, 0, unroll=False)

    fire_gather(0, 0)

    def body(h, carry):
        for k in range(NBUF):
            c = h * NBUF + k
            kn = (k + 1) % NBUF

            @pl.when(c >= NBUF - 1)
            def _():
                wait_store(kn)

            @pl.when(c + 1 < NUM_CHUNKS)
            def _():
                fire_gather(c + 1, kn)

            wait_gather(k)
            extract(k)
            fire_store(c, k)
        return carry

    lax.fori_loop(0, NUM_CHUNKS // NBUF, body, 0, unroll=False)

    for k in range(1, NBUF):
        wait_store(k)


def kernel(token_ids, weight):
    flat = token_ids.reshape(-1)
    padded = jnp.pad(weight, ((0, 0), (0, PADDED_DIM - EMBEDDING_DIM)))
    out = _gather_kernel(flat, padded)
    return out.reshape(token_ids.shape + (EMBEDDING_DIM,))

# --- scband reference (transcript-rebuilt; emitter-appended) ---
"""Pipeline reference for scband-embedding-48447231099298 (READ-ONLY COPY).

The authoritative reference and input builder live on the scoring server;
editing this copy changes nothing except your own understanding.
"""

import jax, jax.numpy as jnp
import numpy as np

NUM_EMBEDDINGS = 1000000
EMBEDDING_DIM = 64


def setup_inputs(seed: int = 0) -> dict:
    key = jax.random.key(seed)
    k1, k2 = jax.random.split(key)
    token_ids = jax.random.randint(k1, (4096, 200), 0, NUM_EMBEDDINGS, dtype=jnp.int64 if jax.config.jax_enable_x64 else jnp.int32)
    # trunc_normal_(mean=0, std=1, a=-3, b=3)
    weight = jax.random.truncated_normal(k2, -3.0, 3.0, (NUM_EMBEDDINGS, EMBEDDING_DIM), dtype=jnp.float32)
    return {"token_ids": token_ids, "weight": weight}


def reference(token_ids, weight):
    # weight[token_ids] -> gather along axis 0
    return jnp.take(weight, token_ids, axis=0)

if __name__ == "__main__":
    import jax
    _d = setup_inputs()
    print(jax.jit(kernel)(*tuple(_d.values())))

</pallas_src>

<mosaic_0001>
#map = affine_map<(d0, d1) -> (0)>
#map1 = affine_map<(d0, d1) -> (0, 0)>
#map2 = affine_map<(d0, d1) -> (0, 0, 0)>
module attributes {stable_mosaic.version = 14 : i64} {
  func.func @_gather_kernel(%arg0: i32, %arg1: i32, %arg2: memref<819200xi32, #tpu.memory_space<hbm>>, %arg3: memref<1000000x128xf32, #tpu.memory_space<hbm>>, %arg4: memref<102400x8x64xf32, #tpu.memory_space<hbm>>, %arg5: memref<25600xi32, #tpu.memory_space<vmem>>, %arg6: memref<200x128xf32, #tpu.memory_space<vmem>>, %arg7: memref<200x128xf32, #tpu.memory_space<vmem>>, %arg8: memref<25x8x64xf32, #tpu.memory_space<vmem>>, %arg9: memref<25x8x64xf32, #tpu.memory_space<vmem>>, %arg10: memref<!tpu.dma_semaphore, #tpu.memory_space<semaphore_mem>>, %arg11: memref<!tpu.dma_semaphore, #tpu.memory_space<semaphore_mem>>, %arg12: memref<!tpu.dma_semaphore, #tpu.memory_space<semaphore_mem>>, %arg13: memref<!tpu.dma_semaphore, #tpu.memory_space<semaphore_mem>>) attributes {dimension_semantics = [#tpu.dimension_semantics<core_parallel>, #tpu.dimension_semantics<subcore_parallel>], iteration_bounds = array<i64: 2, 16>, scalar_prefetch = 0 : i64, scratch_operands = 9 : i64, tpu.core_type = #tpu.core_type<sc_vector_subcore>, window_params = [{transform_indices = #map}, {transform_indices = #map1}, {transform_indices = #map2}]} {
    %mul3A = arith.constant 2 : i32
    %mul3A_0 = arith.muli %arg1, %mul3A : i32
    %add3A = arith.addi %mul3A_0, %arg0 : i32
    %mul3A_1 = arith.constant 25600 : i32
    %mul3A_2 = arith.muli %add3A, %mul3A_1 : i32
    "tpu.region"() ({
      %run_scoped3A = tpu.sem_alloc : memref<!tpu.dma_semaphore, #tpu.memory_space<semaphore_mem>>
      %dma_start3A_19 = tpu.memref_slice %arg2[%mul3A_2] : memref<819200xi32, #tpu.memory_space<hbm>> -> memref<25600xi32, #tpu.memory_space<hbm>>
      %dma_start3A_20 = tpu.memref_slice %arg2[%mul3A_2] : memref<819200xi32, #tpu.memory_space<hbm>> -> memref<25600xi32, #tpu.memory_space<hbm>>
      tpu.enqueue_dma source(%dma_start3A_20 : memref<25600xi32, #tpu.memory_space<hbm>>) target(%arg5 : memref<25600xi32, #tpu.memory_space<vmem>>) target_semaphore(%run_scoped3A : memref<!tpu.dma_semaphore, #tpu.memory_space<semaphore_mem>>)
      %dma_wait3A_21 = tpu.memref_slice %arg2[%mul3A_2] : memref<819200xi32, #tpu.memory_space<hbm>> -> memref<25600xi32, #tpu.memory_space<hbm>>
      %dma_wait3A_22 = tpu.memref_slice %arg2[%mul3A_2] : memref<819200xi32, #tpu.memory_space<hbm>> -> memref<25600xi32, #tpu.memory_space<hbm>>
      tpu.wait_dma2 semaphore(%run_scoped3A : memref<!tpu.dma_semaphore, #tpu.memory_space<semaphore_mem>>) src(%dma_wait3A_22 : memref<25600xi32, #tpu.memory_space<hbm>>) dst(%arg5 : memref<25600xi32, #tpu.memory_space<vmem>>)
      tpu.yield
    }) : () -> ()
    %dma_start3A = arith.constant 0 : i32
    %dma_start3A_3 = tpu.memref_slice %arg5[%dma_start3A] : memref<25600xi32, #tpu.memory_space<vmem>> -> memref<200xi32, #tpu.memory_space<vmem>>
    %dma_start3A_4 = arith.constant 0 : i32
    %dma_start3A_5 = arith.constant 0 : i32
    %dma_start3A_6 = tpu.memref_slice %arg3[%dma_start3A_4, %dma_start3A_5] : memref<1000000x128xf32, #tpu.memory_space<hbm>> -> memref<1000000x128xf32, #tpu.memory_space<hbm>>
    tpu.enqueue_indirect_dma source(%dma_start3A_6 : memref<1000000x128xf32, #tpu.memory_space<hbm>>) target(%arg6 : memref<200x128xf32, #tpu.memory_space<vmem>>) offsets(%dma_start3A_3 : memref<200xi32, #tpu.memory_space<vmem>>) semaphore(%arg10 : memref<!tpu.dma_semaphore, #tpu.memory_space<semaphore_mem>>)
    %scan3A = arith.constant 0 : i32
    %scan3A_7 = arith.constant 0 : i32
    %scan3A_8 = arith.constant 64 : i32
    %scan3A_9 = arith.addi %scan3A_7, %scan3A_8 : i32
    %scan3A_10 = arith.constant 1 : i32
    scf.for %scan3A_19 = %scan3A_7 to %scan3A_9 step %scan3A_10  : i32 {
      %mul3A_20 = arith.constant 2 : i32
      %mul3A_21 = arith.muli %scan3A_19, %mul3A_20 : i32
      %add3A_22 = arith.constant 0 : i32
      %add3A_23 = arith.addi %mul3A_21, %add3A_22 : i32
      %ge3A = arith.constant 1 : i32
      %ge3A_24 = arith.cmpi sge, %add3A_23, %ge3A : i32
      %convert_element_type3A = arith.extui %ge3A_24 : i1 to i32
      %cond3A = arith.constant 0 : i32
      %cond3A_25 = arith.cmpi ne, %convert_element_type3A, %cond3A : i32
      scf.if %cond3A_25 {
        %dma_wait3A_130 = arith.constant 0 : i32
        %dma_wait3A_131 = arith.constant 0 : i32
        %dma_wait3A_132 = arith.constant 0 : i32
        %dma_wait3A_133 = tpu.memref_slice %arg4[%dma_wait3A_130, %dma_wait3A_131, %dma_wait3A_132] : memref<102400x8x64xf32, #tpu.memory_space<hbm>> -> memref<25x8x64xf32, #tpu.memory_space<hbm>>
        %dma_wait3A_134 = arith.constant 0 : i32
        %dma_wait3A_135 = arith.constant 0 : i32
        %dma_wait3A_136 = arith.constant 0 : i32
        %dma_wait3A_137 = tpu.memref_slice %arg4[%dma_wait3A_134, %dma_wait3A_135, %dma_wait3A_136] : memref<102400x8x64xf32, #tpu.memory_space<hbm>> -> memref<25x8x64xf32, #tpu.memory_space<hbm>>
        tpu.wait_dma2 semaphore(%arg13 : memref<!tpu.dma_semaphore, #tpu.memory_space<semaphore_mem>>) src(%arg9 : memref<25x8x64xf32, #tpu.memory_space<vmem>>) dst(%dma_wait3A_137 : memref<25x8x64xf32, #tpu.memory_space<hbm>>)
      } else {
      }
      %add3A_26 = arith.constant 1 : i32
      %add3A_27 = arith.addi %add3A_23, %add3A_26 : i32
      %lt3A = arith.constant 128 : i32
      %lt3A_28 = arith.cmpi slt, %add3A_27, %lt3A : i32
      %convert_element_type3A_29 = arith.extui %lt3A_28 : i1 to i32
      %cond3A_30 = arith.constant 0 : i32
      %cond3A_31 = arith.cmpi ne, %convert_element_type3A_29, %cond3A_30 : i32
      scf.if %cond3A_31 {
        %add3A_130 = arith.constant 1 : i32
        %add3A_131 = arith.addi %add3A_23, %add3A_130 : i32
        %mul3A_132 = arith.constant 200 : i32
        %mul3A_133 = arith.muli %add3A_131, %mul3A_132 : i32
        %dma_start3A_134 = tpu.memref_slice %arg5[%mul3A_133] : memref<25600xi32, #tpu.memory_space<vmem>> -> memref<200xi32, #tpu.memory_space<vmem>>
        %dma_start3A_135 = arith.constant 0 : i32
        %dma_start3A_136 = arith.constant 0 : i32
        %dma_start3A_137 = tpu.memref_slice %arg3[%dma_start3A_135, %dma_start3A_136] : memref<1000000x128xf32, #tpu.memory_space<hbm>> -> memref<1000000x128xf32, #tpu.memory_space<hbm>>
        tpu.enqueue_indirect_dma source(%dma_start3A_137 : memref<1000000x128xf32, #tpu.memory_space<hbm>>) target(%arg7 : memref<200x128xf32, #tpu.memory_space<vmem>>) offsets(%dma_start3A_134 : memref<200xi32, #tpu.memory_space<vmem>>) semaphore(%arg11 : memref<!tpu.dma_semaphore, #tpu.memory_space<semaphore_mem>>)
      } else {
      }
      %dma_wait3A_32 = arith.constant 0 : i32
      %dma_wait3A_33 = arith.constant 0 : i32
      %dma_wait3A_34 = tpu.memref_slice %arg3[%dma_wait3A_32, %dma_wait3A_33] : memref<1000000x128xf32, #tpu.memory_space<hbm>> -> memref<200x128xf32, #tpu.memory_space<hbm>>
      %dma_wait3A_35 = arith.constant 0 : i32
      %dma_wait3A_36 = arith.constant 0 : i32
      %dma_wait3A_37 = tpu.memref_slice %arg3[%dma_wait3A_35, %dma_wait3A_36] : memref<1000000x128xf32, #tpu.memory_space<hbm>> -> memref<200x128xf32, #tpu.memory_space<hbm>>
      tpu.wait_dma2 semaphore(%arg10 : memref<!tpu.dma_semaphore, #tpu.memory_space<semaphore_mem>>) src(%dma_wait3A_37 : memref<200x128xf32, #tpu.memory_space<hbm>>) dst(%arg6 : memref<200x128xf32, #tpu.memory_space<vmem>>)
      %scan3A_38 = arith.constant 0 : i32
      %scan3A_39 = arith.constant 0 : i32
      %scan3A_40 = arith.constant 25 : i32
      %scan3A_41 = arith.addi %scan3A_39, %scan3A_40 : i32
      %scan3A_42 = arith.constant 1 : i32
      scf.for %scan3A_130 = %scan3A_39 to %scan3A_41 step %scan3A_42  : i32 {
        %mul3A_131 = arith.constant 8 : i32
        %mul3A_132 = arith.muli %scan3A_130, %mul3A_131 : i32
        %add3A_133 = arith.constant 0 : i32
        %add3A_134 = arith.addi %mul3A_132, %add3A_133 : i32
        %get3A = arith.index_cast %add3A_134 : i32 to index
        %get3A_135 = arith.constant 0 : index
        %get3A_136 = tpu.vector_load %arg6[%get3A, %get3A_135] {strides = array<i32>} : memref<200x128xf32, #tpu.memory_space<vmem>>, vector<1x16xf32>,
        %get3A_137 = vector.shape_cast %get3A_136 : vector<1x16xf32> to vector<16xf32>
        %swap3A = arith.constant 0 : i32
        %swap3A_138 = arith.index_cast %scan3A_130 : i32 to index
        %swap3A_139 = arith.index_cast %swap3A : i32 to index
        %swap3A_140 = arith.constant 0 : index
        %swap3A_141 = tpu.vector_load %arg8[%swap3A_138, %swap3A_139, %swap3A_140] {strides = array<i32>} : memref<25x8x64xf32, #tpu.memory_space<vmem>>, vector<1x1x16xf32>,
        %swap3A_142 = vector.shape_cast %swap3A_141 : vector<1x1x16xf32> to vector<16xf32>
        %swap3A_143 = vector.shape_cast %get3A_137 : vector<16xf32> to vector<1x1x16xf32>
        tpu.vector_store %arg8[%swap3A_138, %swap3A_139, %swap3A_140], %swap3A_143 {strides = array<i32>} : memref<25x8x64xf32, #tpu.memory_space<vmem>>, vector<1x1x16xf32>,
        %mul3A_144 = arith.constant 8 : i32
        %mul3A_145 = arith.muli %scan3A_130, %mul3A_144 : i32
        %add3A_146 = arith.constant 0 : i32
        %add3A_147 = arith.addi %mul3A_145, %add3A_146 : i32
        %get3A_148 = arith.index_cast %add3A_147 : i32 to index
        %get3A_149 = arith.constant 16 : index
        %get3A_150 = tpu.vector_load %arg6[%get3A_148, %get3A_149] {strides = array<i32>} : memref<200x128xf32, #tpu.memory_space<vmem>>, vector<1x16xf32>,
        %get3A_151 = vector.shape_cast %get3A_150 : vector<1x16xf32> to vector<16xf32>
        %swap3A_152 = arith.constant 0 : i32
        %swap3A_153 = arith.index_cast %scan3A_130 : i32 to index
        %swap3A_154 = arith.index_cast %swap3A_152 : i32 to index
        %swap3A_155 = arith.constant 16 : index
        %swap3A_156 = tpu.vector_load %arg8[%swap3A_153, %swap3A_154, %swap3A_155] {strides = array<i32>} : memref<25x8x64xf32, #tpu.memory_space<vmem>>, vector<1x1x16xf32>,
        %swap3A_157 = vector.shape_cast %swap3A_156 : vector<1x1x16xf32> to vector<16xf32>
        %swap3A_158 = vector.shape_cast %get3A_151 : vector<16xf32> to vector<1x1x16xf32>
        tpu.vector_store %arg8[%swap3A_153, %swap3A_154, %swap3A_155], %swap3A_158 {strides = array<i32>} : memref<25x8x64xf32, #tpu.memory_space<vmem>>, vector<1x1x16xf32>,
        %mul3A_159 = arith.constant 8 : i32
        %mul3A_160 = arith.muli %scan3A_130, %mul3A_159 : i32
        %add3A_161 = arith.constant 0 : i32
        %add3A_162 = arith.addi %mul3A_160, %add3A_161 : i32
        %get3A_163 = arith.index_cast %add3A_162 : i32 to index
        %get3A_164 = arith.constant 32 : index
        %get3A_165 = tpu.vector_load %arg6[%get3A_163, %get3A_164] {strides = array<i32>} : memref<200x128xf32, #tpu.memory_space<vmem>>, vector<1x16xf32>,
        %get3A_166 = vector.shape_cast %get3A_165 : vector<1x16xf32> to vector<16xf32>
        %swap3A_167 = arith.constant 0 : i32
        %swap3A_168 = arith.index_cast %scan3A_130 : i32 to index
        %swap3A_169 = arith.index_cast %swap3A_167 : i32 to index
        %swap3A_170 = arith.constant 32 : index
        %swap3A_171 = tpu.vector_load %arg8[%swap3A_168, %swap3A_169, %swap3A_170] {strides = array<i32>} : memref<25x8x64xf32, #tpu.memory_space<vmem>>, vector<1x1x16xf32>,
        %swap3A_172 = vector.shape_cast %swap3A_171 : vector<1x1x16xf32> to vector<16xf32>
        %swap3A_173 = vector.shape_cast %get3A_166 : vector<16xf32> to vector<1x1x16xf32>
        tpu.vector_store %arg8[%swap3A_168, %swap3A_169, %swap3A_170], %swap3A_173 {strides = array<i32>} : memref<25x8x64xf32, #tpu.memory_space<vmem>>, vector<1x1x16xf32>,
        %mul3A_174 = arith.constant 8 : i32
        %mul3A_175 = arith.muli %scan3A_130, %mul3A_174 : i32
        %add3A_176 = arith.constant 0 : i32
        %add3A_177 = arith.addi %mul3A_175, %add3A_176 : i32
        %get3A_178 = arith.index_cast %add3A_177 : i32 to index
        %get3A_179 = arith.constant 48 : index
        %get3A_180 = tpu.vector_load %arg6[%get3A_178, %get3A_179] {strides = array<i32>} : memref<200x128xf32, #tpu.memory_space<vmem>>, vector<1x16xf32>,
        %get3A_181 = vector.shape_cast %get3A_180 : vector<1x16xf32> to vector<16xf32>
        %swap3A_182 = arith.constant 0 : i32
        %swap3A_183 = arith.index_cast %scan3A_130 : i32 to index
        %swap3A_184 = arith.index_cast %swap3A_182 : i32 to index
        %swap3A_185 = arith.constant 48 : index
        %swap3A_186 = tpu.vector_load %arg8[%swap3A_183, %swap3A_184, %swap3A_185] {strides = array<i32>} : memref<25x8x64xf32, #tpu.memory_space<vmem>>, vector<1x1x16xf32>,
        %swap3A_187 = vector.shape_cast %swap3A_186 : vector<1x1x16xf32> to vector<16xf32>
        %swap3A_188 = vector.shape_cast %get3A_181 : vector<16xf32> to vector<1x1x16xf32>
        tpu.vector_store %arg8[%swap3A_183, %swap3A_184, %swap3A_185], %swap3A_188 {strides = array<i32>} : memref<25x8x64xf32, #tpu.memory_space<vmem>>, vector<1x1x16xf32>,
        %mul3A_189 = arith.constant 8 : i32
        %mul3A_190 = arith.muli %scan3A_130, %mul3A_189 : i32
        %add3A_191 = arith.constant 1 : i32
        %add3A_192 = arith.addi %mul3A_190, %add3A_191 : i32
        %get3A_193 = arith.index_cast %add3A_192 : i32 to index
        %get3A_194 = arith.constant 0 : index
        %get3A_195 = tpu.vector_load %arg6[%get3A_193, %get3A_194] {strides = array<i32>} : memref<200x128xf32, #tpu.memory_space<vmem>>, vector<1x16xf32>,
        %get3A_196 = vector.shape_cast %get3A_195 : vector<1x16xf32> to vector<16xf32>
        %swap3A_197 = arith.constant 1 : i32
        %swap3A_198 = arith.index_cast %scan3A_130 : i32 to index
        %swap3A_199 = arith.index_cast %swap3A_197 : i32 to index
        %swap3A_200 = arith.constant 0 : index
        %swap3A_201 = tpu.vector_load %arg8[%swap3A_198, %swap3A_199, %swap3A_200] {strides = array<i32>} : memref<25x8x64xf32, #tpu.memory_space<vmem>>, vector<1x1x16xf32>,
        %swap3A_202 = vector.shape_cast %swap3A_201 : vector<1x1x16xf32> to vector<16xf32>
        %swap3A_203 = vector.shape_cast %get3A_196 : vector<16xf32> to vector<1x1x16xf32>
        tpu.vector_store %arg8[%swap3A_198, %swap3A_199, %swap3A_200], %swap3A_203 {strides = array<i32>} : memref<25x8x64xf32, #tpu.memory_space<vmem>>, vector<1x1x16xf32>,
        %mul3A_204 = arith.constant 8 : i32
        %mul3A_205 = arith.muli %scan3A_130, %mul3A_204 : i32
        %add3A_206 = arith.constant 1 : i32
        %add3A_207 = arith.addi %mul3A_205, %add3A_206 : i32
        %get3A_208 = arith.index_cast %add3A_207 : i32 to index
        %get3A_209 = arith.constant 16 : index
        %get3A_210 = tpu.vector_load %arg6[%get3A_208, %get3A_209] {strides = array<i32>} : memref<200x128xf32, #tpu.memory_space<vmem>>, vector<1x16xf32>,
        %get3A_211 = vector.shape_cast %get3A_210 : vector<1x16xf32> to vector<16xf32>
        %swap3A_212 = arith.constant 1 : i32
        %swap3A_213 = arith.index_cast %scan3A_130 : i32 to index
        %swap3A_214 = arith.index_cast %swap3A_212 : i32 to index
        %swap3A_215 = arith.constant 16 : index
        %swap3A_216 = tpu.vector_load %arg8[%swap3A_213, %swap3A_214, %swap3A_215] {strides = array<i32>} : memref<25x8x64xf32, #tpu.memory_space<vmem>>, vector<1x1x16xf32>,
        %swap3A_217 = vector.shape_cast %swap3A_216 : vector<1x1x16xf32> to vector<16xf32>
        %swap3A_218 = vector.shape_cast %get3A_211 : vector<16xf32> to vector<1x1x16xf32>
        tpu.vector_store %arg8[%swap3A_213, %swap3A_214, %swap3A_215], %swap3A_218 {strides = array<i32>} : memref<25x8x64xf32, #tpu.memory_space<vmem>>, vector<1x1x16xf32>,
        %mul3A_219 = arith.constant 8 : i32
        %mul3A_220 = arith.muli %scan3A_130, %mul3A_219 : i32
        %add3A_221 = arith.constant 1 : i32
        %add3A_222 = arith.addi %mul3A_220, %add3A_221 : i32
        %get3A_223 = arith.index_cast %add3A_222 : i32 to index
        %get3A_224 = arith.constant 32 : index
        %get3A_225 = tpu.vector_load %arg6[%get3A_223, %get3A_224] {strides = array<i32>} : memref<200x128xf32, #tpu.memory_space<vmem>>, vector<1x16xf32>,
        %get3A_226 = vector.shape_cast %get3A_225 : vector<1x16xf32> to vector<16xf32>
        %swap3A_227 = arith.constant 1 : i32
        %swap3A_228 = arith.index_cast %scan3A_130 : i32 to index
        %swap3A_229 = arith.index_cast %swap3A_227 : i32 to index
        %swap3A_230 = arith.constant 32 : index
        %swap3A_231 = tpu.vector_load %arg8[%swap3A_228, %swap3A_229, %swap3A_230] {strides = array<i32>} : memref<25x8x64xf32, #tpu.memory_space<vmem>>, vector<1x1x16xf32>,
        %swap3A_232 = vector.shape_cast %swap3A_231 : vector<1x1x16xf32> to vector<16xf32>
        %swap3A_233 = vector.shape_cast %get3A_226 : vector<16xf32> to vector<1x1x16xf32>
        tpu.vector_store %arg8[%swap3A_228, %swap3A_229, %swap3A_230], %swap3A_233 {strides = array<i32>} : memref<25x8x64xf32, #tpu.memory_space<vmem>>, vector<1x1x16xf32>,
        %mul3A_234 = arith.constant 8 : i32
        %mul3A_235 = arith.muli %scan3A_130, %mul3A_234 : i32
        %add3A_236 = arith.constant 1 : i32
        %add3A_237 = arith.addi %mul3A_235, %add3A_236 : i32
        %get3A_238 = arith.index_cast %add3A_237 : i32 to index
        %get3A_239 = arith.constant 48 : index
        %get3A_240 = tpu.vector_load %arg6[%get3A_238, %get3A_239] {strides = array<i32>} : memref<200x128xf32, #tpu.memory_space<vmem>>, vector<1x16xf32>,
        %get3A_241 = vector.shape_cast %get3A_240 : vector<1x16xf32> to vector<16xf32>
        %swap3A_242 = arith.constant 1 : i32
        %swap3A_243 = arith.index_cast %scan3A_130 : i32 to index
        %swap3A_244 = arith.index_cast %swap3A_242 : i32 to index
        %swap3A_245 = arith.constant 48 : index
        %swap3A_246 = tpu.vector_load %arg8[%swap3A_243, %swap3A_244, %swap3A_245] {strides = array<i32>} : memref<25x8x64xf32, #tpu.memory_space<vmem>>, vector<1x1x16xf32>,
        %swap3A_247 = vector.shape_cast %swap3A_246 : vector<1x1x16xf32> to vector<16xf32>
        %swap3A_248 = vector.shape_cast %get3A_241 : vector<16xf32> to vector<1x1x16xf32>
        tpu.vector_store %arg8[%swap3A_243, %swap3A_244, %swap3A_245], %swap3A_248 {strides = array<i32>} : memref<25x8x64xf32, #tpu.memory_space<vmem>>, vector<1x1x16xf32>,
        %mul3A_249 = arith.constant 8 : i32
        %mul3A_250 = arith.muli %scan3A_130, %mul3A_249 : i32
        %add3A_251 = arith.constant 2 : i32
        %add3A_252 = arith.addi %mul3A_250, %add3A_251 : i32
        %get3A_253 = arith.index_cast %add3A_252 : i32 to index
        %get3A_254 = arith.constant 0 : index
        %get3A_255 = tpu.vector_load %arg6[%get3A_253, %get3A_254] {strides = array<i32>} : memref<200x128xf32, #tpu.memory_space<vmem>>, vector<1x16xf32>,
        %get3A_256 = vector.shape_cast %get3A_255 : vector<1x16xf32> to vector<16xf32>
        %swap3A_257 = arith.constant 2 : i32
        %swap3A_258 = arith.index_cast %scan3A_130 : i32 to index
        %swap3A_259 = arith.index_cast %swap3A_257 : i32 to index
        %swap3A_260 = arith.constant 0 : index
        %swap3A_261 = tpu.vector_load %arg8[%swap3A_258, %swap3A_259, %swap3A_260] {strides = array<i32>} : memref<25x8x64xf32, #tpu.memory_space<vmem>>, vector<1x1x16xf32>,
        %swap3A_262 = vector.shape_cast %swap3A_261 : vector<1x1x16xf32> to vector<16xf32>
        %swap3A_263 = vector.shape_cast %get3A_256 : vector<16xf32> to vector<1x1x16xf32>
        tpu.vector_store %arg8[%swap3A_258, %swap3A_259, %swap3A_260], %swap3A_263 {strides = array<i32>} : memref<25x8x64xf32, #tpu.memory_space<vmem>>, vector<1x1x16xf32>,
        %mul3A_264 = arith.constant 8 : i32
        %mul3A_265 = arith.muli %scan3A_130, %mul3A_264 : i32
        %add3A_266 = arith.constant 2 : i32
        %add3A_267 = arith.addi %mul3A_265, %add3A_266 : i32
        %get3A_268 = arith.index_cast %add3A_267 : i32 to index
        %get3A_269 = arith.constant 16 : index
        %get3A_270 = tpu.vector_load %arg6[%get3A_268, %get3A_269] {strides = array<i32>} : memref<200x128xf32, #tpu.memory_space<vmem>>, vector<1x16xf32>,
        %get3A_271 = vector.shape_cast %get3A_270 : vector<1x16xf32> to vector<16xf32>
        %swap3A_272 = arith.constant 2 : i32
        %swap3A_273 = arith.index_cast %scan3A_130 : i32 to index
        %swap3A_274 = arith.index_cast %swap3A_272 : i32 to index
        %swap3A_275 = arith.constant 16 : index
        %swap3A_276 = tpu.vector_load %arg8[%swap3A_273, %swap3A_274, %swap3A_275] {strides = array<i32>} : memref<25x8x64xf32, #tpu.memory_space<vmem>>, vector<1x1x16xf32>,
        %swap3A_277 = vector.shape_cast %swap3A_276 : vector<1x1x16xf32> to vector<16xf32>
        %swap3A_278 = vector.shape_cast %get3A_271 : vector<16xf32> to vector<1x1x16xf32>
        tpu.vector_store %arg8[%swap3A_273, %swap3A_274, %swap3A_275], %swap3A_278 {strides = array<i32>} : memref<25x8x64xf32, #tpu.memory_space<vmem>>, vector<1x1x16xf32>,
        %mul3A_279 = arith.constant 8 : i32
        %mul3A_280 = arith.muli %scan3A_130, %mul3A_279 : i32
        %add3A_281 = arith.constant 2 : i32
        %add3A_282 = arith.addi %mul3A_280, %add3A_281 : i32
        %get3A_283 = arith.index_cast %add3A_282 : i32 to index
        %get3A_284 = arith.constant 32 : index
        %get3A_285 = tpu.vector_load %arg6[%get3A_283, %get3A_284] {strides = array<i32>} : memref<200x128xf32, #tpu.memory_space<vmem>>, vector<1x16xf32>,
        %get3A_286 = vector.shape_cast %get3A_285 : vector<1x16xf32> to vector<16xf32>
        %swap3A_287 = arith.constant 2 : i32
        %swap3A_288 = arith.index_cast %scan3A_130 : i32 to index
        %swap3A_289 = arith.index_cast %swap3A_287 : i32 to index
        %swap3A_290 = arith.constant 32 : index
        %swap3A_291 = tpu.vector_load %arg8[%swap3A_288, %swap3A_289, %swap3A_290] {strides = array<i32>} : memref<25x8x64xf32, #tpu.memory_space<vmem>>, vector<1x1x16xf32>,
        %swap3A_292 = vector.shape_cast %swap3A_291 : vector<1x1x16xf32> to vector<16xf32>
        %swap3A_293 = vector.shape_cast %get3A_286 : vector<16xf32> to vector<1x1x16xf32>
        tpu.vector_store %arg8[%swap3A_288, %swap3A_289, %swap3A_290], %swap3A_293 {strides = array<i32>} : memref<25x8x64xf32, #tpu.memory_space<vmem>>, vector<1x1x16xf32>,
        %mul3A_294 = arith.constant 8 : i32
        %mul3A_295 = arith.muli %scan3A_130, %mul3A_294 : i32
        %add3A_296 = arith.constant 2 : i32
        %add3A_297 = arith.addi %mul3A_295, %add3A_296 : i32
        %get3A_298 = arith.index_cast %add3A_297 : i32 to index
        %get3A_299 = arith.constant 48 : index
        %get3A_300 = tpu.vector_load %arg6[%get3A_298, %get3A_299] {strides = array<i32>} : memref<200x128xf32, #tpu.memory_space<vmem>>, vector<1x16xf32>,
        %get3A_301 = vector.shape_cast %get3A_300 : vector<1x16xf32> to vector<16xf32>
        %swap3A_302 = arith.constant 2 : i32
        %swap3A_303 = arith.index_cast %scan3A_130 : i32 to index
        %swap3A_304 = arith.index_cast %swap3A_302 : i32 to index
        %swap3A_305 = arith.constant 48 : index
        %swap3A_306 = tpu.vector_load %arg8[%swap3A_303, %swap3A_304, %swap3A_305] {strides = array<i32>} : memref<25x8x64xf32, #tpu.memory_space<vmem>>, vector<1x1x16xf32>,
        %swap3A_307 = vector.shape_cast %swap3A_306 : vector<1x1x16xf32> to vector<16xf32>
        %swap3A_308 = vector.shape_cast %get3A_301 : vector<16xf32> to vector<1x1x16xf32>
        tpu.vector_store %arg8[%swap3A_303, %swap3A_304, %swap3A_305], %swap3A_308 {strides = array<i32>} : memref<25x8x64xf32, #tpu.memory_space<vmem>>, vector<1x1x16xf32>,
        %mul3A_309 = arith.constant 8 : i32
        %mul3A_310 = arith.muli %scan3A_130, %mul3A_309 : i32
        %add3A_311 = arith.constant 3 : i32
        %add3A_312 = arith.addi %mul3A_310, %add3A_311 : i32
        %get3A_313 = arith.index_cast %add3A_312 : i32 to index
        %get3A_314 = arith.constant 0 : index
        %get3A_315 = tpu.vector_load %arg6[%get3A_313, %get3A_314] {strides = array<i32>} : memref<200x128xf32, #tpu.memory_space<vmem>>, vector<1x16xf32>,
        %get3A_316 = vector.shape_cast %get3A_315 : vector<1x16xf32> to vector<16xf32>
        %swap3A_317 = arith.constant 3 : i32
        %swap3A_318 = arith.index_cast %scan3A_130 : i32 to index
        %swap3A_319 = arith.index_cast %swap3A_317 : i32 to index
        %swap3A_320 = arith.constant 0 : index
        %swap3A_321 = tpu.vector_load %arg8[%swap3A_318, %swap3A_319, %swap3A_320] {strides = array<i32>} : memref<25x8x64xf32, #tpu.memory_space<vmem>>, vector<1x1x16xf32>,
        %swap3A_322 = vector.shape_cast %swap3A_321 : vector<1x1x16xf32> to vector<16xf32>
        %swap3A_323 = vector.shape_cast %get3A_316 : vector<16xf32> to vector<1x1x16xf32>
        tpu.vector_store %arg8[%swap3A_318, %swap3A_319, %swap3A_320], %swap3A_323 {strides = array<i32>} : memref<25x8x64xf32, #tpu.memory_space<vmem>>, vector<1x1x16xf32>,
        %mul3A_324 = arith.constant 8 : i32
        %mul3A_325 = arith.muli %scan3A_130, %mul3A_324 : i32
        %add3A_326 = arith.constant 3 : i32
        %add3A_327 = arith.addi %mul3A_325, %add3A_326 : i32
        %get3A_328 = arith.index_cast %add3A_327 : i32 to index
        %get3A_329 = arith.constant 16 : index
        %get3A_330 = tpu.vector_load %arg6[%get3A_328, %get3A_329] {strides = array<i32>} : memref<200x128xf32, #tpu.memory_space<vmem>>, vector<1x16xf32>,
        %get3A_331 = vector.shape_cast %get3A_330 : vector<1x16xf32> to vector<16xf32>
        %swap3A_332 = arith.constant 3 : i32
        %swap3A_333 = arith.index_cast %scan3A_130 : i32 to index
        %swap3A_334 = arith.index_cast %swap3A_332 : i32 to index
        %swap3A_335 = arith.constant 16 : index
        %swap3A_336 = tpu.vector_load %arg8[%swap3A_333, %swap3A_334, %swap3A_335] {strides = array<i32>} : memref<25x8x64xf32, #tpu.memory_space<vmem>>, vector<1x1x16xf32>,
        %swap3A_337 = vector.shape_cast %swap3A_336 : vector<1x1x16xf32> to vector<16xf32>
        %swap3A_338 = vector.shape_cast %get3A_331 : vector<16xf32> to vector<1x1x16xf32>
        tpu.vector_store %arg8[%swap3A_333, %swap3A_334, %swap3A_335], %swap3A_338 {strides = array<i32>} : memref<25x8x64xf32, #tpu.memory_space<vmem>>, vector<1x1x16xf32>,
        %mul3A_339 = arith.constant 8 : i32
        %mul3A_340 = arith.muli %scan3A_130, %mul3A_339 : i32
        %add3A_341 = arith.constant 3 : i32
        %add3A_342 = arith.addi %mul3A_340, %add3A_341 : i32
        %get3A_343 = arith.index_cast %add3A_342 : i32 to index
        %get3A_344 = arith.constant 32 : index
        %get3A_345 = tpu.vector_load %arg6[%get3A_343, %get3A_344] {strides = array<i32>} : memref<200x128xf32, #tpu.memory_space<vmem>>, vector<1x16xf32>,
        %get3A_346 = vector.shape_cast %get3A_345 : vector<1x16xf32> to vector<16xf32>
        %swap3A_347 = arith.constant 3 : i32
        %swap3A_348 = arith.index_cast %scan3A_130 : i32 to index
        %swap3A_349 = arith.index_cast %swap3A_347 : i32 to index
        %swap3A_350 = arith.constant 32 : index
        %swap3A_351 = tpu.vector_load %arg8[%swap3A_348, %swap3A_349, %swap3A_350] {strides = array<i32>} : memref<25x8x64xf32, #tpu.memory_space<vmem>>, vector<1x1x16xf32>,
        %swap3A_352 = vector.shape_cast %swap3A_351 : vector<1x1x16xf32> to vector<16xf32>
        %swap3A_353 = vector.shape_cast %get3A_346 : vector<16xf32> to vector<1x1x16xf32>
        tpu.vector_store %arg8[%swap3A_348, %swap3A_349, %swap3A_350], %swap3A_353 {strides = array<i32>} : memref<25x8x64xf32, #tpu.memory_space<vmem>>, vector<1x1x16xf32>,
        %mul3A_354 = arith.constant 8 : i32
        %mul3A_355 = arith.muli %scan3A_130, %mul3A_354 : i32
        %add3A_356 = arith.constant 3 : i32
        %add3A_357 = arith.addi %mul3A_355, %add3A_356 : i32
        %get3A_358 = arith.index_cast %add3A_357 : i32 to index
        %get3A_359 = arith.constant 48 : index
        %get3A_360 = tpu.vector_load %arg6[%get3A_358, %get3A_359] {strides = array<i32>} : memref<200x128xf32, #tpu.memory_space<vmem>>, vector<1x16xf32>,
        %get3A_361 = vector.shape_cast %get3A_360 : vector<1x16xf32> to vector<16xf32>
        %swap3A_362 = arith.constant 3 : i32
        %swap3A_363 = arith.index_cast %scan3A_130 : i32 to index
        %swap3A_364 = arith.index_cast %swap3A_362 : i32 to index
        %swap3A_365 = arith.constant 48 : index
        %swap3A_366 = tpu.vector_load %arg8[%swap3A_363, %swap3A_364, %swap3A_365] {strides = array<i32>} : memref<25x8x64xf32, #tpu.memory_space<vmem>>, vector<1x1x16xf32>,
        %swap3A_367 = vector.shape_cast %swap3A_366 : vector<1x1x16xf32> to vector<16xf32>
        %swap3A_368 = vector.shape_cast %get3A_361 : vector<16xf32> to vector<1x1x16xf32>
        tpu.vector_store %arg8[%swap3A_363, %swap3A_364, %swap3A_365], %swap3A_368 {strides = array<i32>} : memref<25x8x64xf32, #tpu.memory_space<vmem>>, vector<1x1x16xf32>,
        %mul3A_369 = arith.constant 8 : i32
        %mul3A_370 = arith.muli %scan3A_130, %mul3A_369 : i32
        %add3A_371 = arith.constant 4 : i32
        %add3A_372 = arith.addi %mul3A_370, %add3A_371 : i32
        %get3A_373 = arith.index_cast %add3A_372 : i32 to index
        %get3A_374 = arith.constant 0 : index
        %get3A_375 = tpu.vector_load %arg6[%get3A_373, %get3A_374] {strides = array<i32>} : memref<200x128xf32, #tpu.memory_space<vmem>>, vector<1x16xf32>,
        %get3A_376 = vector.shape_cast %get3A_375 : vector<1x16xf32> to vector<16xf32>
        %swap3A_377 = arith.constant 4 : i32
        %swap3A_378 = arith.index_cast %scan3A_130 : i32 to index
        %swap3A_379 = arith.index_cast %swap3A_377 : i32 to index
        %swap3A_380 = arith.constant 0 : index
        %swap3A_381 = tpu.vector_load %arg8[%swap3A_378, %swap3A_379, %swap3A_380] {strides = array<i32>} : memref<25x8x64xf32, #tpu.memory_space<vmem>>, vector<1x1x16xf32>,
        %swap3A_382 = vector.shape_cast %swap3A_381 : vector<1x1x16xf32> to vector<16xf32>
        %swap3A_383 = vector.shape_cast %get3A_376 : vector<16xf32> to vector<1x1x16xf32>
        tpu.vector_store %arg8[%swap3A_378, %swap3A_379, %swap3A_380], %swap3A_383 {strides = array<i32>} : memref<25x8x64xf32, #tpu.memory_space<vmem>>, vector<1x1x16xf32>,
        %mul3A_384 = arith.constant 8 : i32
        %mul3A_385 = arith.muli %scan3A_130, %mul3A_384 : i32
        %add3A_386 = arith.constant 4 : i32
        %add3A_387 = arith.addi %mul3A_385, %add3A_386 : i32
        %get3A_388 = arith.index_cast %add3A_387 : i32 to index
        %get3A_389 = arith.constant 16 : index
        %get3A_390 = tpu.vector_load %arg6[%get3A_388, %get3A_389] {strides = array<i32>} : memref<200x128xf32, #tpu.memory_space<vmem>>, vector<1x16xf32>,
        %get3A_391 = vector.shape_cast %get3A_390 : vector<1x16xf32> to vector<16xf32>
        %swap3A_392 = arith.constant 4 : i32
        %swap3A_393 = arith.index_cast %scan3A_130 : i32 to index
        %swap3A_394 = arith.index_cast %swap3A_392 : i32 to index
        %swap3A_395 = arith.constant 16 : index
        %swap3A_396 = tpu.vector_load %arg8[%swap3A_393, %swap3A_394, %swap3A_395] {strides = array<i32>} : memref<25x8x64xf32, #tpu.memory_space<vmem>>, vector<1x1x16xf32>,
        %swap3A_397 = vector.shape_cast %swap3A_396 : vector<1x1x16xf32> to vector<16xf32>
        %swap3A_398 = vector.shape_cast %get3A_391 : vector<16xf32> to vector<1x1x16xf32>
        tpu.vector_store %arg8[%swap3A_393, %swap3A_394, %swap3A_395], %swap3A_398 {strides = array<i32>} : memref<25x8x64xf32, #tpu.memory_space<vmem>>, vector<1x1x16xf32>,
        %mul3A_399 = arith.constant 8 : i32
        %mul3A_400 = arith.muli %scan3A_130, %mul3A_399 : i32
        %add3A_401 = arith.constant 4 : i32
        %add3A_402 = arith.addi %mul3A_400, %add3A_401 : i32
        %get3A_403 = arith.index_cast %add3A_402 : i32 to index
        %get3A_404 = arith.constant 32 : index
        %get3A_405 = tpu.vector_load %arg6[%get3A_403, %get3A_404] {strides = array<i32>} : memref<200x128xf32, #tpu.memory_space<vmem>>, vector<1x16xf32>,
        %get3A_406 = vector.shape_cast %get3A_405 : vector<1x16xf32> to vector<16xf32>
        %swap3A_407 = arith.constant 4 : i32
        %swap3A_408 = arith.index_cast %scan3A_130 : i32 to index
        %swap3A_409 = arith.index_cast %swap3A_407 : i32 to index
        %swap3A_410 = arith.constant 32 : index
        %swap3A_411 = tpu.vector_load %arg8[%swap3A_408, %swap3A_409, %swap3A_410] {strides = array<i32>} : memref<25x8x64xf32, #tpu.memory_space<vmem>>, vector<1x1x16xf32>,
        %swap3A_412 = vector.shape_cast %swap3A_411 : vector<1x1x16xf32> to vector<16xf32>
        %swap3A_413 = vector.shape_cast %get3A_406 : vector<16xf32> to vector<1x1x16xf32>
        tpu.vector_store %arg8[%swap3A_408, %swap3A_409, %swap3A_410], %swap3A_413 {strides = array<i32>} : memref<25x8x64xf32, #tpu.memory_space<vmem>>, vector<1x1x16xf32>,
        %mul3A_414 = arith.constant 8 : i32
        %mul3A_415 = arith.muli %scan3A_130, %mul3A_414 : i32
        %add3A_416 = arith.constant 4 : i32
        %add3A_417 = arith.addi %mul3A_415, %add3A_416 : i32
        %get3A_418 = arith.index_cast %add3A_417 : i32 to index
        %get3A_419 = arith.constant 48 : index
        %get3A_420 = tpu.vector_load %arg6[%get3A_418, %get3A_419] {strides = array<i32>} : memref<200x128xf32, #tpu.memory_space<vmem>>, vector<1x16xf32>,
        %get3A_421 = vector.shape_cast %get3A_420 : vector<1x16xf32> to vector<16xf32>
        %swap3A_422 = arith.constant 4 : i32
        %swap3A_423 = arith.index_cast %scan3A_130 : i32 to index
        %swap3A_424 = arith.index_cast %swap3A_422 : i32 to index
        %swap3A_425 = arith.constant 48 : index
        %swap3A_426 = tpu.vector_load %arg8[%swap3A_423, %swap3A_424, %swap3A_425] {strides = array<i32>} : memref<25x8x64xf32, #tpu.memory_space<vmem>>, vector<1x1x16xf32>,
        %swap3A_427 = vector.shape_cast %swap3A_426 : vector<1x1x16xf32> to vector<16xf32>
        %swap3A_428 = vector.shape_cast %get3A_421 : vector<16xf32> to vector<1x1x16xf32>
        tpu.vector_store %arg8[%swap3A_423, %swap3A_424, %swap3A_425], %swap3A_428 {strides = array<i32>} : memref<25x8x64xf32, #tpu.memory_space<vmem>>, vector<1x1x16xf32>,
        %mul3A_429 = arith.constant 8 : i32
        %mul3A_430 = arith.muli %scan3A_130, %mul3A_429 : i32
        %add3A_431 = arith.constant 5 : i32
        %add3A_432 = arith.addi %mul3A_430, %add3A_431 : i32
        %get3A_433 = arith.index_cast %add3A_432 : i32 to index
        %get3A_434 = arith.constant 0 : index
        %get3A_435 = tpu.vector_load %arg6[%get3A_433, %get3A_434] {strides = array<i32>} : memref<200x128xf32, #tpu.memory_space<vmem>>, vector<1x16xf32>,
        %get3A_436 = vector.shape_cast %get3A_435 : vector<1x16xf32> to vector<16xf32>
        %swap3A_437 = arith.constant 5 : i32
        %swap3A_438 = arith.index_cast %scan3A_130 : i32 to index
        %swap3A_439 = arith.index_cast %swap3A_437 : i32 to index
        %swap3A_440 = arith.constant 0 : index
        %swap3A_441 = tpu.vector_load %arg8[%swap3A_438, %swap3A_439, %swap3A_440] {strides = array<i32>} : memref<25x8x64xf32, #tpu.memory_space<vmem>>, vector<1x1x16xf32>,
        %swap3A_442 = vector.shape_cast %swap3A_441 : vector<1x1x16xf32> to vector<16xf32>
        %swap3A_443 = vector.shape_cast %get3A_436 : vector<16xf32> to vector<1x1x16xf32>
        tpu.vector_store %arg8[%swap3A_438, %swap3A_439, %swap3A_440], %swap3A_443 {strides = array<i32>} : memref<25x8x64xf32, #tpu.memory_space<vmem>>, vector<1x1x16xf32>,
        %mul3A_444 = arith.constant 8 : i32
        %mul3A_445 = arith.muli %scan3A_130, %mul3A_444 : i32
        %add3A_446 = arith.constant 5 : i32
        %add3A_447 = arith.addi %mul3A_445, %add3A_446 : i32
        %get3A_448 = arith.index_cast %add3A_447 : i32 to index
        %get3A_449 = arith.constant 16 : index
        %get3A_450 = tpu.vector_load %arg6[%get3A_448, %get3A_449] {strides = array<i32>} : memref<200x128xf32, #tpu.memory_space<vmem>>, vector<1x16xf32>,
        %get3A_451 = vector.shape_cast %get3A_450 : vector<1x16xf32> to vector<16xf32>
        %swap3A_452 = arith.constant 5 : i32
        %swap3A_453 = arith.index_cast %scan3A_130 : i32 to index
        %swap3A_454 = arith.index_cast %swap3A_452 : i32 to index
        %swap3A_455 = arith.constant 16 : index
        %swap3A_456 = tpu.vector_load %arg8[%swap3A_453, %swap3A_454, %swap3A_455] {strides = array<i32>} : memref<25x8x64xf32, #tpu.memory_space<vmem>>, vector<1x1x16xf32>,
        %swap3A_457 = vector.shape_cast %swap3A_456 : vector<1x1x16xf32> to vector<16xf32>
        %swap3A_458 = vector.shape_cast %get3A_451 : vector<16xf32> to vector<1x1x16xf32>
        tpu.vector_store %arg8[%swap3A_453, %swap3A_454, %swap3A_455], %swap3A_458 {strides = array<i32>} : memref<25x8x64xf32, #tpu.memory_space<vmem>>, vector<1x1x16xf32>,
        %mul3A_459 = arith.constant 8 : i32
        %mul3A_460 = arith.muli %scan3A_130, %mul3A_459 : i32
        %add3A_461 = arith.constant 5 : i32
        %add3A_462 = arith.addi %mul3A_460, %add3A_461 : i32
        %get3A_463 = arith.index_cast %add3A_462 : i32 to index
        %get3A_464 = arith.constant 32 : index
        %get3A_465 = tpu.vector_load %arg6[%get3A_463, %get3A_464] {strides = array<i32>} : memref<200x128xf32, #tpu.memory_space<vmem>>, vector<1x16xf32>,
        %get3A_466 = vector.shape_cast %get3A_465 : vector<1x16xf32> to vector<16xf32>
        %swap3A_467 = arith.constant 5 : i32
        %swap3A_468 = arith.index_cast %scan3A_130 : i32 to index
        %swap3A_469 = arith.index_cast %swap3A_467 : i32 to index
        %swap3A_470 = arith.constant 32 : index
        %swap3A_471 = tpu.vector_load %arg8[%swap3A_468, %swap3A_469, %swap3A_470] {strides = array<i32>} : memref<25x8x64xf32, #tpu.memory_space<vmem>>, vector<1x1x16xf32>,
        %swap3A_472 = vector.shape_cast %swap3A_471 : vector<1x1x16xf32> to vector<16xf32>
        %swap3A_473 = vector.shape_cast %get3A_466 : vector<16xf32> to vector<1x1x16xf32>
        tpu.vector_store %arg8[%swap3A_468, %swap3A_469, %swap3A_470], %swap3A_473 {strides = array<i32>} : memref<25x8x64xf32, #tpu.memory_space<vmem>>, vector<1x1x16xf32>,
        %mul3A_474 = arith.constant 8 : i32
        %mul3A_475 = arith.muli %scan3A_130, %mul3A_474 : i32
        %add3A_476 = arith.constant 5 : i32
        %add3A_477 = arith.addi %mul3A_475, %add3A_476 : i32
        %get3A_478 = arith.index_cast %add3A_477 : i32 to index
        %get3A_479 = arith.constant 48 : index
        %get3A_480 = tpu.vector_load %arg6[%get3A_478, %get3A_479] {strides = array<i32>} : memref<200x128xf32, #tpu.memory_space<vmem>>, vector<1x16xf32>,
        %get3A_481 = vector.shape_cast %get3A_480 : vector<1x16xf32> to vector<16xf32>
        %swap3A_482 = arith.constant 5 : i32
        %swap3A_483 = arith.index_cast %scan3A_130 : i32 to index
        %swap3A_484 = arith.index_cast %swap3A_482 : i32 to index
        %swap3A_485 = arith.constant 48 : index
        %swap3A_486 = tpu.vector_load %arg8[%swap3A_483, %swap3A_484, %swap3A_485] {strides = array<i32>} : memref<25x8x64xf32, #tpu.memory_space<vmem>>, vector<1x1x16xf32>,
        %swap3A_487 = vector.shape_cast %swap3A_486 : vector<1x1x16xf32> to vector<16xf32>
        %swap3A_488 = vector.shape_cast %get3A_481 : vector<16xf32> to vector<1x1x16xf32>
        tpu.vector_store %arg8[%swap3A_483, %swap3A_484, %swap3A_485], %swap3A_488 {strides = array<i32>} : memref<25x8x64xf32, #tpu.memory_space<vmem>>, vector<1x1x16xf32>,
        %mul3A_489 = arith.constant 8 : i32
        %mul3A_490 = arith.muli %scan3A_130, %mul3A_489 : i32
        %add3A_491 = arith.constant 6 : i32
        %add3A_492 = arith.addi %mul3A_490, %add3A_491 : i32
        %get3A_493 = arith.index_cast %add3A_492 : i32 to index
        %get3A_494 = arith.constant 0 : index
        %get3A_495 = tpu.vector_load %arg6[%get3A_493, %get3A_494] {strides = array<i32>} : memref<200x128xf32, #tpu.memory_space<vmem>>, vector<1x16xf32>,
        %get3A_496 = vector.shape_cast %get3A_495 : vector<1x16xf32> to vector<16xf32>
        %swap3A_497 = arith.constant 6 : i32
        %swap3A_498 = arith.index_cast %scan3A_130 : i32 to index
        %swap3A_499 = arith.index_cast %swap3A_497 : i32 to index
        %swap3A_500 = arith.constant 0 : index
        %swap3A_501 = tpu.vector_load %arg8[%swap3A_498, %swap3A_499, %swap3A_500] {strides = array<i32>} : memref<25x8x64xf32, #tpu.memory_space<vmem>>, vector<1x1x16xf32>,
        %swap3A_502 = vector.shape_cast %swap3A_501 : vector<1x1x16xf32> to vector<16xf32>
        %swap3A_503 = vector.shape_cast %get3A_496 : vector<16xf32> to vector<1x1x16xf32>
        tpu.vector_store %arg8[%swap3A_498, %swap3A_499, %swap3A_500], %swap3A_503 {strides = array<i32>} : memref<25x8x64xf32, #tpu.memory_space<vmem>>, vector<1x1x16xf32>,
        %mul3A_504 = arith.constant 8 : i32
        %mul3A_505 = arith.muli %scan3A_130, %mul3A_504 : i32
        %add3A_506 = arith.constant 6 : i32
        %add3A_507 = arith.addi %mul3A_505, %add3A_506 : i32
        %get3A_508 = arith.index_cast %add3A_507 : i32 to index
        %get3A_509 = arith.constant 16 : index
        %get3A_510 = tpu.vector_load %arg6[%get3A_508, %get3A_509] {strides = array<i32>} : memref<200x128xf32, #tpu.memory_space<vmem>>, vector<1x16xf32>,
        %get3A_511 = vector.shape_cast %get3A_510 : vector<1x16xf32> to vector<16xf32>
        %swap3A_512 = arith.constant 6 : i32
        %swap3A_513 = arith.index_cast %scan3A_130 : i32 to index
        %swap3A_514 = arith.index_cast %swap3A_512 : i32 to index
        %swap3A_515 = arith.constant 16 : index
        %swap3A_516 = tpu.vector_load %arg8[%swap3A_513, %swap3A_514, %swap3A_515] {strides = array<i32>} : memref<25x8x64xf32, #tpu.memory_space<vmem>>, vector<1x1x16xf32>,
        %swap3A_517 = vector.shape_cast %swap3A_516 : vector<1x1x16xf32> to vector<16xf32>
        %swap3A_518 = vector.shape_cast %get3A_511 : vector<16xf32> to vector<1x1x16xf32>
        tpu.vector_store %arg8[%swap3A_513, %swap3A_514, %swap3A_515], %swap3A_518 {strides = array<i32>} : memref<25x8x64xf32, #tpu.memory_space<vmem>>, vector<1x1x16xf32>,
        %mul3A_519 = arith.constant 8 : i32
        %mul3A_520 = arith.muli %scan3A_130, %mul3A_519 : i32
        %add3A_521 = arith.constant 6 : i32
        %add3A_522 = arith.addi %mul3A_520, %add3A_521 : i32
        %get3A_523 = arith.index_cast %add3A_522 : i32 to index
        %get3A_524 = arith.constant 32 : index
        %get3A_525 = tpu.vector_load %arg6[%get3A_523, %get3A_524] {strides = array<i32>} : memref<200x128xf32, #tpu.memory_space<vmem>>, vector<1x16xf32>,
        %get3A_526 = vector.shape_cast %get3A_525 : vector<1x16xf32> to vector<16xf32>
        %swap3A_527 = arith.constant 6 : i32
        %swap3A_528 = arith.index_cast %scan3A_130 : i32 to index
        %swap3A_529 = arith.index_cast %swap3A_527 : i32 to index
        %swap3A_530 = arith.constant 32 : index
        %swap3A_531 = tpu.vector_load %arg8[%swap3A_528, %swap3A_529, %swap3A_530] {strides = array<i32>} : memref<25x8x64xf32, #tpu.memory_space<vmem>>, vector<1x1x16xf32>,
        %swap3A_532 = vector.shape_cast %swap3A_531 : vector<1x1x16xf32> to vector<16xf32>
        %swap3A_533 = vector.shape_cast %get3A_526 : vector<16xf32> to vector<1x1x16xf32>
        tpu.vector_store %arg8[%swap3A_528, %swap3A_529, %swap3A_530], %swap3A_533 {strides = array<i32>} : memref<25x8x64xf32, #tpu.memory_space<vmem>>, vector<1x1x16xf32>,
        %mul3A_534 = arith.constant 8 : i32
        %mul3A_535 = arith.muli %scan3A_130, %mul3A_534 : i32
        %add3A_536 = arith.constant 6 : i32
        %add3A_537 = arith.addi %mul3A_535, %add3A_536 : i32
        %get3A_538 = arith.index_cast %add3A_537 : i32 to index
        %get3A_539 = arith.constant 48 : index
        %get3A_540 = tpu.vector_load %arg6[%get3A_538, %get3A_539] {strides = array<i32>} : memref<200x128xf32, #tpu.memory_space<vmem>>, vector<1x16xf32>,
        %get3A_541 = vector.shape_cast %get3A_540 : vector<1x16xf32> to vector<16xf32>
        %swap3A_542 = arith.constant 6 : i32
        %swap3A_543 = arith.index_cast %scan3A_130 : i32 to index
        %swap3A_544 = arith.index_cast %swap3A_542 : i32 to index
        %swap3A_545 = arith.constant 48 : index
        %swap3A_546 = tpu.vector_load %arg8[%swap3A_543, %swap3A_544, %swap3A_545] {strides = array<i32>} : memref<25x8x64xf32, #tpu.memory_space<vmem>>, vector<1x1x16xf32>,
        %swap3A_547 = vector.shape_cast %swap3A_546 : vector<1x1x16xf32> to vector<16xf32>
        %swap3A_548 = vector.shape_cast %get3A_541 : vector<16xf32> to vector<1x1x16xf32>
        tpu.vector_store %arg8[%swap3A_543, %swap3A_544, %swap3A_545], %swap3A_548 {strides = array<i32>} : memref<25x8x64xf32, #tpu.memory_space<vmem>>, vector<1x1x16xf32>,
        %mul3A_549 = arith.constant 8 : i32
        %mul3A_550 = arith.muli %scan3A_130, %mul3A_549 : i32
        %add3A_551 = arith.constant 7 : i32
        %add3A_552 = arith.addi %mul3A_550, %add3A_551 : i32
        %get3A_553 = arith.index_cast %add3A_552 : i32 to index
        %get3A_554 = arith.constant 0 : index
        %get3A_555 = tpu.vector_load %arg6[%get3A_553, %get3A_554] {strides = array<i32>} : memref<200x128xf32, #tpu.memory_space<vmem>>, vector<1x16xf32>,
        %get3A_556 = vector.shape_cast %get3A_555 : vector<1x16xf32> to vector<16xf32>
        %swap3A_557 = arith.constant 7 : i32
        %swap3A_558 = arith.index_cast %scan3A_130 : i32 to index
        %swap3A_559 = arith.index_cast %swap3A_557 : i32 to index
        %swap3A_560 = arith.constant 0 : index
        %swap3A_561 = tpu.vector_load %arg8[%swap3A_558, %swap3A_559, %swap3A_560] {strides = array<i32>} : memref<25x8x64xf32, #tpu.memory_space<vmem>>, vector<1x1x16xf32>,
        %swap3A_562 = vector.shape_cast %swap3A_561 : vector<1x1x16xf32> to vector<16xf32>
        %swap3A_563 = vector.shape_cast %get3A_556 : vector<16xf32> to vector<1x1x16xf32>
        tpu.vector_store %arg8[%swap3A_558, %swap3A_559, %swap3A_560], %swap3A_563 {strides = array<i32>} : memref<25x8x64xf32, #tpu.memory_space<vmem>>, vector<1x1x16xf32>,
        %mul3A_564 = arith.constant 8 : i32
        %mul3A_565 = arith.muli %scan3A_130, %mul3A_564 : i32
        %add3A_566 = arith.constant 7 : i32
        %add3A_567 = arith.addi %mul3A_565, %add3A_566 : i32
        %get3A_568 = arith.index_cast %add3A_567 : i32 to index
        %get3A_569 = arith.constant 16 : index
        %get3A_570 = tpu.vector_load %arg6[%get3A_568, %get3A_569] {strides = array<i32>} : memref<200x128xf32, #tpu.memory_space<vmem>>, vector<1x16xf32>,
        %get3A_571 = vector.shape_cast %get3A_570 : vector<1x16xf32> to vector<16xf32>
        %swap3A_572 = arith.constant 7 : i32
        %swap3A_573 = arith.index_cast %scan3A_130 : i32 to index
        %swap3A_574 = arith.index_cast %swap3A_572 : i32 to index
        %swap3A_575 = arith.constant 16 : index
        %swap3A_576 = tpu.vector_load %arg8[%swap3A_573, %swap3A_574, %swap3A_575] {strides = array<i32>} : memref<25x8x64xf32, #tpu.memory_space<vmem>>, vector<1x1x16xf32>,
        %swap3A_577 = vector.shape_cast %swap3A_576 : vector<1x1x16xf32> to vector<16xf32>
        %swap3A_578 = vector.shape_cast %get3A_571 : vector<16xf32> to vector<1x1x16xf32>
        tpu.vector_store %arg8[%swap3A_573, %swap3A_574, %swap3A_575], %swap3A_578 {strides = array<i32>} : memref<25x8x64xf32, #tpu.memory_space<vmem>>, vector<1x1x16xf32>,
        %mul3A_579 = arith.constant 8 : i32
        %mul3A_580 = arith.muli %scan3A_130, %mul3A_579 : i32
        %add3A_581 = arith.constant 7 : i32
        %add3A_582 = arith.addi %mul3A_580, %add3A_581 : i32
        %get3A_583 = arith.index_cast %add3A_582 : i32 to index
        %get3A_584 = arith.constant 32 : index
        %get3A_585 = tpu.vector_load %arg6[%get3A_583, %get3A_584] {strides = array<i32>} : memref<200x128xf32, #tpu.memory_space<vmem>>, vector<1x16xf32>,
        %get3A_586 = vector.shape_cast %get3A_585 : vector<1x16xf32> to vector<16xf32>
        %swap3A_587 = arith.constant 7 : i32
        %swap3A_588 = arith.index_cast %scan3A_130 : i32 to index
        %swap3A_589 = arith.index_cast %swap3A_587 : i32 to index
        %swap3A_590 = arith.constant 32 : index
        %swap3A_591 = tpu.vector_load %arg8[%swap3A_588, %swap3A_589, %swap3A_590] {strides = array<i32>} : memref<25x8x64xf32, #tpu.memory_space<vmem>>, vector<1x1x16xf32>,
        %swap3A_592 = vector.shape_cast %swap3A_591 : vector<1x1x16xf32> to vector<16xf32>
        %swap3A_593 = vector.shape_cast %get3A_586 : vector<16xf32> to vector<1x1x16xf32>
        tpu.vector_store %arg8[%swap3A_588, %swap3A_589, %swap3A_590], %swap3A_593 {strides = array<i32>} : memref<25x8x64xf32, #tpu.memory_space<vmem>>, vector<1x1x16xf32>,
        %mul3A_594 = arith.constant 8 : i32
        %mul3A_595 = arith.muli %scan3A_130, %mul3A_594 : i32
        %add3A_596 = arith.constant 7 : i32
        %add3A_597 = arith.addi %mul3A_595, %add3A_596 : i32
        %get3A_598 = arith.index_cast %add3A_597 : i32 to index
        %get3A_599 = arith.constant 48 : index
        %get3A_600 = tpu.vector_load %arg6[%get3A_598, %get3A_599] {strides = array<i32>} : memref<200x128xf32, #tpu.memory_space<vmem>>, vector<1x16xf32>,
        %get3A_601 = vector.shape_cast %get3A_600 : vector<1x16xf32> to vector<16xf32>
        %swap3A_602 = arith.constant 7 : i32
        %swap3A_603 = arith.index_cast %scan3A_130 : i32 to index
        %swap3A_604 = arith.index_cast %swap3A_602 : i32 to index
        %swap3A_605 = arith.constant 48 : index
        %swap3A_606 = tpu.vector_load %arg8[%swap3A_603, %swap3A_604, %swap3A_605] {strides = array<i32>} : memref<25x8x64xf32, #tpu.memory_space<vmem>>, vector<1x1x16xf32>,
        %swap3A_607 = vector.shape_cast %swap3A_606 : vector<1x1x16xf32> to vector<16xf32>
        %swap3A_608 = vector.shape_cast %get3A_601 : vector<16xf32> to vector<1x1x16xf32>
        tpu.vector_store %arg8[%swap3A_603, %swap3A_604, %swap3A_605], %swap3A_608 {strides = array<i32>} : memref<25x8x64xf32, #tpu.memory_space<vmem>>, vector<1x1x16xf32>,
      }
      %scan3A_43 = arith.constant 25 : i32
      %mul3A_44 = arith.constant 200 : i32
      %mul3A_45 = arith.muli %add3A_23, %mul3A_44 : i32
      %add3A_46 = arith.addi %mul3A_2, %mul3A_45 : i32
      %jit3A = arith.constant 8 : i32
      %div3A = arith.divsi %add3A_46, %jit3A : i32
      %sign3A = arith.constant 0 : i32
      %sign3A_47 = arith.cmpi sgt, %add3A_46, %sign3A : i32
      %sign3A_48 = arith.extui %sign3A_47 : i1 to i32
      %sign3A_49 = arith.constant 0 : i32
      %sign3A_50 = arith.cmpi slt, %add3A_46, %sign3A_49 : i32
      %sign3A_51 = arith.extui %sign3A_50 : i1 to i32
      %sign3A_52 = arith.subi %sign3A_48, %sign3A_51 : i32
      %sign3A_53 = arith.constant 0 : i32
      %sign3A_54 = arith.cmpi sgt, %jit3A, %sign3A_53 : i32
      %sign3A_55 = arith.extui %sign3A_54 : i1 to i32
      %sign3A_56 = arith.constant 0 : i32
      %sign3A_57 = arith.cmpi slt, %jit3A, %sign3A_56 : i32
      %sign3A_58 = arith.extui %sign3A_57 : i1 to i32
      %sign3A_59 = arith.subi %sign3A_55, %sign3A_58 : i32
      %ne3A = arith.cmpi ne, %sign3A_52, %sign3A_59 : i32
      %rem3A = arith.remsi %add3A_46, %jit3A : i32
      %ne3A_60 = arith.constant 0 : i32
      %ne3A_61 = arith.cmpi ne, %rem3A, %ne3A_60 : i32
      %and3A = arith.andi %ne3A, %ne3A_61 : i1
      %sub3A = arith.constant 1 : i32
      %sub3A_62 = arith.subi %div3A, %sub3A : i32
      %select_n3A = arith.select %and3A, %sub3A_62, %div3A : i32
      %dma_start3A_63 = arith.constant 0 : i32
      %dma_start3A_64 = arith.constant 0 : i32
      %dma_start3A_65 = tpu.memref_slice %arg4[%select_n3A, %dma_start3A_63, %dma_start3A_64] : memref<102400x8x64xf32, #tpu.memory_space<hbm>> -> memref<25x8x64xf32, #tpu.memory_space<hbm>>
      %dma_start3A_66 = arith.constant 0 : i32
      %dma_start3A_67 = arith.constant 0 : i32
      %dma_start3A_68 = tpu.memref_slice %arg4[%select_n3A, %dma_start3A_66, %dma_start3A_67] : memref<102400x8x64xf32, #tpu.memory_space<hbm>> -> memref<25x8x64xf32, #tpu.memory_space<hbm>>
      tpu.enqueue_dma source(%arg8 : memref<25x8x64xf32, #tpu.memory_space<vmem>>) target(%dma_start3A_68 : memref<25x8x64xf32, #tpu.memory_space<hbm>>) target_semaphore(%arg12 : memref<!tpu.dma_semaphore, #tpu.memory_space<semaphore_mem>>)
      %mul3A_69 = arith.constant 2 : i32
      %mul3A_70 = arith.muli %scan3A_19, %mul3A_69 : i32
      %add3A_71 = arith.constant 1 : i32
      %add3A_72 = arith.addi %mul3A_70, %add3A_71 : i32
      %ge3A_73 = arith.constant 1 : i32
      %ge3A_74 = arith.cmpi sge, %add3A_72, %ge3A_73 : i32
      %convert_element_type3A_75 = arith.extui %ge3A_74 : i1 to i32
      %cond3A_76 = arith.constant 0 : i32
      %cond3A_77 = arith.cmpi ne, %convert_element_type3A_75, %cond3A_76 : i32
      scf.if %cond3A_77 {
        %dma_wait3A_130 = arith.constant 0 : i32
        %dma_wait3A_131 = arith.constant 0 : i32
        %dma_wait3A_132 = arith.constant 0 : i32
        %dma_wait3A_133 = tpu.memref_slice %arg4[%dma_wait3A_130, %dma_wait3A_131, %dma_wait3A_132] : memref<102400x8x64xf32, #tpu.memory_space<hbm>> -> memref<25x8x64xf32, #tpu.memory_space<hbm>>
        %dma_wait3A_134 = arith.constant 0 : i32
        %dma_wait3A_135 = arith.constant 0 : i32
        %dma_wait3A_136 = arith.constant 0 : i32
        %dma_wait3A_137 = tpu.memref_slice %arg4[%dma_wait3A_134, %dma_wait3A_135, %dma_wait3A_136] : memref<102400x8x64xf32, #tpu.memory_space<hbm>> -> memref<25x8x64xf32, #tpu.memory_space<hbm>>
        tpu.wait_dma2 semaphore(%arg12 : memref<!tpu.dma_semaphore, #tpu.memory_space<semaphore_mem>>) src(%arg8 : memref<25x8x64xf32, #tpu.memory_space<vmem>>) dst(%dma_wait3A_137 : memref<25x8x64xf32, #tpu.memory_space<hbm>>)
      } else {
      }
      %add3A_78 = arith.constant 1 : i32
      %add3A_79 = arith.addi %add3A_72, %add3A_78 : i32
      %lt3A_80 = arith.constant 128 : i32
      %lt3A_81 = arith.cmpi slt, %add3A_79, %lt3A_80 : i32
      %convert_element_type3A_82 = arith.extui %lt3A_81 : i1 to i32
      %cond3A_83 = arith.constant 0 : i32
      %cond3A_84 = arith.cmpi ne, %convert_element_type3A_82, %cond3A_83 : i32
      scf.if %cond3A_84 {
        %add3A_130 = arith.constant 1 : i32
        %add3A_131 = arith.addi %add3A_72, %add3A_130 : i32
        %mul3A_132 = arith.constant 200 : i32
        %mul3A_133 = arith.muli %add3A_131, %mul3A_132 : i32
        %dma_start3A_134 = tpu.memref_slice %arg5[%mul3A_133] : memref<25600xi32, #tpu.memory_space<vmem>> -> memref<200xi32, #tpu.memory_space<vmem>>
        %dma_start3A_135 = arith.constant 0 : i32
        %dma_start3A_136 = arith.constant 0 : i32
        %dma_start3A_137 = tpu.memref_slice %arg3[%dma_start3A_135, %dma_start3A_136] : memref<1000000x128xf32, #tpu.memory_space<hbm>> -> memref<1000000x128xf32, #tpu.memory_space<hbm>>
        tpu.enqueue_indirect_dma source(%dma_start3A_137 : memref<1000000x128xf32, #tpu.memory_space<hbm>>) target(%arg6 : memref<200x128xf32, #tpu.memory_space<vmem>>) offsets(%dma_start3A_134 : memref<200xi32, #tpu.memory_space<vmem>>) semaphore(%arg10 : memref<!tpu.dma_semaphore, #tpu.memory_space<semaphore_mem>>)
      } else {
      }
      %dma_wait3A_85 = arith.constant 0 : i32
      %dma_wait3A_86 = arith.constant 0 : i32
      %dma_wait3A_87 = tpu.memref_slice %arg3[%dma_wait3A_85, %dma_wait3A_86] : memref<1000000x128xf32, #tpu.memory_space<hbm>> -> memref<200x128xf32, #tpu.memory_space<hbm>>
      %dma_wait3A_88 = arith.constant 0 : i32
      %dma_wait3A_89 = arith.constant 0 : i32
      %dma_wait3A_90 = tpu.memref_slice %arg3[%dma_wait3A_88, %dma_wait3A_89] : memref<1000000x128xf32, #tpu.memory_space<hbm>> -> memref<200x128xf32, #tpu.memory_space<hbm>>
      tpu.wait_dma2 semaphore(%arg11 : memref<!tpu.dma_semaphore, #tpu.memory_space<semaphore_mem>>) src(%dma_wait3A_90 : memref<200x128xf32, #tpu.memory_space<hbm>>) dst(%arg7 : memref<200x128xf32, #tpu.memory_space<vmem>>)
      %scan3A_91 = arith.constant 0 : i32
      %scan3A_92 = arith.constant 0 : i32
      %scan3A_93 = arith.constant 25 : i32
      %scan3A_94 = arith.addi %scan3A_92, %scan3A_93 : i32
      %scan3A_95 = arith.constant 1 : i32
      scf.for %scan3A_130 = %scan3A_92 to %scan3A_94 step %scan3A_95  : i32 {
        %mul3A_131 = arith.constant 8 : i32
        %mul3A_132 = arith.muli %scan3A_130, %mul3A_131 : i32
        %add3A_133 = arith.constant 0 : i32
        %add3A_134 = arith.addi %mul3A_132, %add3A_133 : i32
        %get3A = arith.index_cast %add3A_134 : i32 to index
        %get3A_135 = arith.constant 0 : index
        %get3A_136 = tpu.vector_load %arg7[%get3A, %get3A_135] {strides = array<i32>} : memref<200x128xf32, #tpu.memory_space<vmem>>, vector<1x16xf32>,
        %get3A_137 = vector.shape_cast %get3A_136 : vector<1x16xf32> to vector<16xf32>
        %swap3A = arith.constant 0 : i32
        %swap3A_138 = arith.index_cast %scan3A_130 : i32 to index
        %swap3A_139 = arith.index_cast %swap3A : i32 to index
        %swap3A_140 = arith.constant 0 : index
        %swap3A_141 = tpu.vector_load %arg9[%swap3A_138, %swap3A_139, %swap3A_140] {strides = array<i32>} : memref<25x8x64xf32, #tpu.memory_space<vmem>>, vector<1x1x16xf32>,
        %swap3A_142 = vector.shape_cast %swap3A_141 : vector<1x1x16xf32> to vector<16xf32>
        %swap3A_143 = vector.shape_cast %get3A_137 : vector<16xf32> to vector<1x1x16xf32>
        tpu.vector_store %arg9[%swap3A_138, %swap3A_139, %swap3A_140], %swap3A_143 {strides = array<i32>} : memref<25x8x64xf32, #tpu.memory_space<vmem>>, vector<1x1x16xf32>,
        %mul3A_144 = arith.constant 8 : i32
        %mul3A_145 = arith.muli %scan3A_130, %mul3A_144 : i32
        %add3A_146 = arith.constant 0 : i32
        %add3A_147 = arith.addi %mul3A_145, %add3A_146 : i32
        %get3A_148 = arith.index_cast %add3A_147 : i32 to index
        %get3A_149 = arith.constant 16 : index
        %get3A_150 = tpu.vector_load %arg7[%get3A_148, %get3A_149] {strides = array<i32>} : memref<200x128xf32, #tpu.memory_space<vmem>>, vector<1x16xf32>,
        %get3A_151 = vector.shape_cast %get3A_150 : vector<1x16xf32> to vector<16xf32>
        %swap3A_152 = arith.constant 0 : i32
        %swap3A_153 = arith.index_cast %scan3A_130 : i32 to index
        %swap3A_154 = arith.index_cast %swap3A_152 : i32 to index
        %swap3A_155 = arith.constant 16 : index
        %swap3A_156 = tpu.vector_load %arg9[%swap3A_153, %swap3A_154, %swap3A_155] {strides = array<i32>} : memref<25x8x64xf32, #tpu.memory_space<vmem>>, vector<1x1x16xf32>,
        %swap3A_157 = vector.shape_cast %swap3A_156 : vector<1x1x16xf32> to vector<16xf32>
        %swap3A_158 = vector.shape_cast %get3A_151 : vector<16xf32> to vector<1x1x16xf32>
        tpu.vector_store %arg9[%swap3A_153, %swap3A_154, %swap3A_155], %swap3A_158 {strides = array<i32>} : memref<25x8x64xf32, #tpu.memory_space<vmem>>, vector<1x1x16xf32>,
        %mul3A_159 = arith.constant 8 : i32
        %mul3A_160 = arith.muli %scan3A_130, %mul3A_159 : i32
        %add3A_161 = arith.constant 0 : i32
        %add3A_162 = arith.addi %mul3A_160, %add3A_161 : i32
        %get3A_163 = arith.index_cast %add3A_162 : i32 to index
        %get3A_164 = arith.constant 32 : index
        %get3A_165 = tpu.vector_load %arg7[%get3A_163, %get3A_164] {strides = array<i32>} : memref<200x128xf32, #tpu.memory_space<vmem>>, vector<1x16xf32>,
        %get3A_166 = vector.shape_cast %get3A_165 : vector<1x16xf32> to vector<16xf32>
        %swap3A_167 = arith.constant 0 : i32
        %swap3A_168 = arith.index_cast %scan3A_130 : i32 to index
        %swap3A_169 = arith.index_cast %swap3A_167 : i32 to index
        %swap3A_170 = arith.constant 32 : index
        %swap3A_171 = tpu.vector_load %arg9[%swap3A_168, %swap3A_169, %swap3A_170] {strides = array<i32>} : memref<25x8x64xf32, #tpu.memory_space<vmem>>, vector<1x1x16xf32>,
        %swap3A_172 = vector.shape_cast %swap3A_171 : vector<1x1x16xf32> to vector<16xf32>
        %swap3A_173 = vector.shape_cast %get3A_166 : vector<16xf32> to vector<1x1x16xf32>
        tpu.vector_store %arg9[%swap3A_168, %swap3A_169, %swap3A_170], %swap3A_173 {strides = array<i32>} : memref<25x8x64xf32, #tpu.memory_space<vmem>>, vector<1x1x16xf32>,
        %mul3A_174 = arith.constant 8 : i32
        %mul3A_175 = arith.muli %scan3A_130, %mul3A_174 : i32
        %add3A_176 = arith.constant 0 : i32
        %add3A_177 = arith.addi %mul3A_175, %add3A_176 : i32
        %get3A_178 = arith.index_cast %add3A_177 : i32 to index
        %get3A_179 = arith.constant 48 : index
        %get3A_180 = tpu.vector_load %arg7[%get3A_178, %get3A_179] {strides = array<i32>} : memref<200x128xf32, #tpu.memory_space<vmem>>, vector<1x16xf32>,
        %get3A_181 = vector.shape_cast %get3A_180 : vector<1x16xf32> to vector<16xf32>
        %swap3A_182 = arith.constant 0 : i32
        %swap3A_183 = arith.index_cast %scan3A_130 : i32 to index
        %swap3A_184 = arith.index_cast %swap3A_182 : i32 to index
        %swap3A_185 = arith.constant 48 : index
        %swap3A_186 = tpu.vector_load %arg9[%swap3A_183, %swap3A_184, %swap3A_185] {strides = array<i32>} : memref<25x8x64xf32, #tpu.memory_space<vmem>>, vector<1x1x16xf32>,
        %swap3A_187 = vector.shape_cast %swap3A_186 : vector<1x1x16xf32> to vector<16xf32>
        %swap3A_188 = vector.shape_cast %get3A_181 : vector<16xf32> to vector<1x1x16xf32>
        tpu.vector_store %arg9[%swap3A_183, %swap3A_184, %swap3A_185], %swap3A_188 {strides = array<i32>} : memref<25x8x64xf32, #tpu.memory_space<vmem>>, vector<1x1x16xf32>,
        %mul3A_189 = arith.constant 8 : i32
        %mul3A_190 = arith.muli %scan3A_130, %mul3A_189 : i32
        %add3A_191 = arith.constant 1 : i32
        %add3A_192 = arith.addi %mul3A_190, %add3A_191 : i32
        %get3A_193 = arith.index_cast %add3A_192 : i32 to index
        %get3A_194 = arith.constant 0 : index
        %get3A_195 = tpu.vector_load %arg7[%get3A_193, %get3A_194] {strides = array<i32>} : memref<200x128xf32, #tpu.memory_space<vmem>>, vector<1x16xf32>,
        %get3A_196 = vector.shape_cast %get3A_195 : vector<1x16xf32> to vector<16xf32>
        %swap3A_197 = arith.constant 1 : i32
        %swap3A_198 = arith.index_cast %scan3A_130 : i32 to index
        %swap3A_199 = arith.index_cast %swap3A_197 : i32 to index
        %swap3A_200 = arith.constant 0 : index
        %swap3A_201 = tpu.vector_load %arg9[%swap3A_198, %swap3A_199, %swap3A_200] {strides = array<i32>} : memref<25x8x64xf32, #tpu.memory_space<vmem>>, vector<1x1x16xf32>,
        %swap3A_202 = vector.shape_cast %swap3A_201 : vector<1x1x16xf32> to vector<16xf32>
        %swap3A_203 = vector.shape_cast %get3A_196 : vector<16xf32> to vector<1x1x16xf32>
        tpu.vector_store %arg9[%swap3A_198, %swap3A_199, %swap3A_200], %swap3A_203 {strides = array<i32>} : memref<25x8x64xf32, #tpu.memory_space<vmem>>, vector<1x1x16xf32>,
        %mul3A_204 = arith.constant 8 : i32
        %mul3A_205 = arith.muli %scan3A_130, %mul3A_204 : i32
        %add3A_206 = arith.constant 1 : i32
        %add3A_207 = arith.addi %mul3A_205, %add3A_206 : i32
        %get3A_208 = arith.index_cast %add3A_207 : i32 to index
        %get3A_209 = arith.constant 16 : index
        %get3A_210 = tpu.vector_load %arg7[%get3A_208, %get3A_209] {strides = array<i32>} : memref<200x128xf32, #tpu.memory_space<vmem>>, vector<1x16xf32>,
        %get3A_211 = vector.shape_cast %get3A_210 : vector<1x16xf32> to vector<16xf32>
        %swap3A_212 = arith.constant 1 : i32
        %swap3A_213 = arith.index_cast %scan3A_130 : i32 to index
        %swap3A_214 = arith.index_cast %swap3A_212 : i32 to index
        %swap3A_215 = arith.constant 16 : index
        %swap3A_216 = tpu.vector_load %arg9[%swap3A_213, %swap3A_214, %swap3A_215] {strides = array<i32>} : memref<25x8x64xf32, #tpu.memory_space<vmem>>, vector<1x1x16xf32>,
        %swap3A_217 = vector.shape_cast %swap3A_216 : vector<1x1x16xf32> to vector<16xf32>
        %swap3A_218 = vector.shape_cast %get3A_211 : vector<16xf32> to vector<1x1x16xf32>
        tpu.vector_store %arg9[%swap3A_213, %swap3A_214, %swap3A_215], %swap3A_218 {strides = array<i32>} : memref<25x8x64xf32, #tpu.memory_space<vmem>>, vector<1x1x16xf32>,
        %mul3A_219 = arith.constant 8 : i32
        %mul3A_220 = arith.muli %scan3A_130, %mul3A_219 : i32
        %add3A_221 = arith.constant 1 : i32
        %add3A_222 = arith.addi %mul3A_220, %add3A_221 : i32
        %get3A_223 = arith.index_cast %add3A_222 : i32 to index
        %get3A_224 = arith.constant 32 : index
        %get3A_225 = tpu.vector_load %arg7[%get3A_223, %get3A_224] {strides = array<i32>} : memref<200x128xf32, #tpu.memory_space<vmem>>, vector<1x16xf32>,
        %get3A_226 = vector.shape_cast %get3A_225 : vector<1x16xf32> to vector<16xf32>
        %swap3A_227 = arith.constant 1 : i32
        %swap3A_228 = arith.index_cast %scan3A_130 : i32 to index
        %swap3A_229 = arith.index_cast %swap3A_227 : i32 to index
        %swap3A_230 = arith.constant 32 : index
        %swap3A_231 = tpu.vector_load %arg9[%swap3A_228, %swap3A_229, %swap3A_230] {strides = array<i32>} : memref<25x8x64xf32, #tpu.memory_space<vmem>>, vector<1x1x16xf32>,
        %swap3A_232 = vector.shape_cast %swap3A_231 : vector<1x1x16xf32> to vector<16xf32>
        %swap3A_233 = vector.shape_cast %get3A_226 : vector<16xf32> to vector<1x1x16xf32>
        tpu.vector_store %arg9[%swap3A_228, %swap3A_229, %swap3A_230], %swap3A_233 {strides = array<i32>} : memref<25x8x64xf32, #tpu.memory_space<vmem>>, vector<1x1x16xf32>,
        %mul3A_234 = arith.constant 8 : i32
        %mul3A_235 = arith.muli %scan3A_130, %mul3A_234 : i32
        %add3A_236 = arith.constant 1 : i32
        %add3A_237 = arith.addi %mul3A_235, %add3A_236 : i32
        %get3A_238 = arith.index_cast %add3A_237 : i32 to index
        %get3A_239 = arith.constant 48 : index
        %get3A_240 = tpu.vector_load %arg7[%get3A_238, %get3A_239] {strides = array<i32>} : memref<200x128xf32, #tpu.memory_space<vmem>>, vector<1x16xf32>,
        %get3A_241 = vector.shape_cast %get3A_240 : vector<1x16xf32> to vector<16xf32>
        %swap3A_242 = arith.constant 1 : i32
        %swap3A_243 = arith.index_cast %scan3A_130 : i32 to index
        %swap3A_244 = arith.index_cast %swap3A_242 : i32 to index
        %swap3A_245 = arith.constant 48 : index
        %swap3A_246 = tpu.vector_load %arg9[%swap3A_243, %swap3A_244, %swap3A_245] {strides = array<i32>} : memref<25x8x64xf32, #tpu.memory_space<vmem>>, vector<1x1x16xf32>,
        %swap3A_247 = vector.shape_cast %swap3A_246 : vector<1x1x16xf32> to vector<16xf32>
        %swap3A_248 = vector.shape_cast %get3A_241 : vector<16xf32> to vector<1x1x16xf32>
        tpu.vector_store %arg9[%swap3A_243, %swap3A_244, %swap3A_245], %swap3A_248 {strides = array<i32>} : memref<25x8x64xf32, #tpu.memory_space<vmem>>, vector<1x1x16xf32>,
        %mul3A_249 = arith.constant 8 : i32
        %mul3A_250 = arith.muli %scan3A_130, %mul3A_249 : i32
        %add3A_251 = arith.constant 2 : i32
        %add3A_252 = arith.addi %mul3A_250, %add3A_251 : i32
        %get3A_253 = arith.index_cast %add3A_252 : i32 to index
        %get3A_254 = arith.constant 0 : index
        %get3A_255 = tpu.vector_load %arg7[%get3A_253, %get3A_254] {strides = array<i32>} : memref<200x128xf32, #tpu.memory_space<vmem>>, vector<1x16xf32>,
        %get3A_256 = vector.shape_cast %get3A_255 : vector<1x16xf32> to vector<16xf32>
        %swap3A_257 = arith.constant 2 : i32
        %swap3A_258 = arith.index_cast %scan3A_130 : i32 to index
        %swap3A_259 = arith.index_cast %swap3A_257 : i32 to index
        %swap3A_260 = arith.constant 0 : index
        %swap3A_261 = tpu.vector_load %arg9[%swap3A_258, %swap3A_259, %swap3A_260] {strides = array<i32>} : memref<25x8x64xf32, #tpu.memory_space<vmem>>, vector<1x1x16xf32>,
        %swap3A_262 = vector.shape_cast %swap3A_261 : vector<1x1x16xf32> to vector<16xf32>
        %swap3A_263 = vector.shape_cast %get3A_256 : vector<16xf32> to vector<1x1x16xf32>
        tpu.vector_store %arg9[%swap3A_258, %swap3A_259, %swap3A_260], %swap3A_263 {strides = array<i32>} : memref<25x8x64xf32, #tpu.memory_space<vmem>>, vector<1x1x16xf32>,
        %mul3A_264 = arith.constant 8 : i32
        %mul3A_265 = arith.muli %scan3A_130, %mul3A_264 : i32
        %add3A_266 = arith.constant 2 : i32
        %add3A_267 = arith.addi %mul3A_265, %add3A_266 : i32
        %get3A_268 = arith.index_cast %add3A_267 : i32 to index
        %get3A_269 = arith.constant 16 : index
        %get3A_270 = tpu.vector_load %arg7[%get3A_268, %get3A_269] {strides = array<i32>} : memref<200x128xf32, #tpu.memory_space<vmem>>, vector<1x16xf32>,
        %get3A_271 = vector.shape_cast %get3A_270 : vector<1x16xf32> to vector<16xf32>
        %swap3A_272 = arith.constant 2 : i32
        %swap3A_273 = arith.index_cast %scan3A_130 : i32 to index
        %swap3A_274 = arith.index_cast %swap3A_272 : i32 to index
        %swap3A_275 = arith.constant 16 : index
        %swap3A_276 = tpu.vector_load %arg9[%swap3A_273, %swap3A_274, %swap3A_275] {strides = array<i32>} : memref<25x8x64xf32, #tpu.memory_space<vmem>>, vector<1x1x16xf32>,
        %swap3A_277 = vector.shape_cast %swap3A_276 : vector<1x1x16xf32> to vector<16xf32>
        %swap3A_278 = vector.shape_cast %get3A_271 : vector<16xf32> to vector<1x1x16xf32>
        tpu.vector_store %arg9[%swap3A_273, %swap3A_274, %swap3A_275], %swap3A_278 {strides = array<i32>} : memref<25x8x64xf32, #tpu.memory_space<vmem>>, vector<1x1x16xf32>,
        %mul3A_279 = arith.constant 8 : i32
        %mul3A_280 = arith.muli %scan3A_130, %mul3A_279 : i32
        %add3A_281 = arith.constant 2 : i32
        %add3A_282 = arith.addi %mul3A_280, %add3A_281 : i32
        %get3A_283 = arith.index_cast %add3A_282 : i32 to index
        %get3A_284 = arith.constant 32 : index
        %get3A_285 = tpu.vector_load %arg7[%get3A_283, %get3A_284] {strides = array<i32>} : memref<200x128xf32, #tpu.memory_space<vmem>>, vector<1x16xf32>,
        %get3A_286 = vector.shape_cast %get3A_285 : vector<1x16xf32> to vector<16xf32>
        %swap3A_287 = arith.constant 2 : i32
        %swap3A_288 = arith.index_cast %scan3A_130 : i32 to index
        %swap3A_289 = arith.index_cast %swap3A_287 : i32 to index
        %swap3A_290 = arith.constant 32 : index
        %swap3A_291 = tpu.vector_load %arg9[%swap3A_288, %swap3A_289, %swap3A_290] {strides = array<i32>} : memref<25x8x64xf32, #tpu.memory_space<vmem>>, vector<1x1x16xf32>,
        %swap3A_292 = vector.shape_cast %swap3A_291 : vector<1x1x16xf32> to vector<16xf32>
        %swap3A_293 = vector.shape_cast %get3A_286 : vector<16xf32> to vector<1x1x16xf32>
        tpu.vector_store %arg9[%swap3A_288, %swap3A_289, %swap3A_290], %swap3A_293 {strides = array<i32>} : memref<25x8x64xf32, #tpu.memory_space<vmem>>, vector<1x1x16xf32>,
        %mul3A_294 = arith.constant 8 : i32
        %mul3A_295 = arith.muli %scan3A_130, %mul3A_294 : i32
        %add3A_296 = arith.constant 2 : i32
        %add3A_297 = arith.addi %mul3A_295, %add3A_296 : i32
        %get3A_298 = arith.index_cast %add3A_297 : i32 to index
        %get3A_299 = arith.constant 48 : index
        %get3A_300 = tpu.vector_load %arg7[%get3A_298, %get3A_299] {strides = array<i32>} : memref<200x128xf32, #tpu.memory_space<vmem>>, vector<1x16xf32>,
        %get3A_301 = vector.shape_cast %get3A_300 : vector<1x16xf32> to vector<16xf32>
        %swap3A_302 = arith.constant 2 : i32
        %swap3A_303 = arith.index_cast %scan3A_130 : i32 to index
        %swap3A_304 = arith.index_cast %swap3A_302 : i32 to index
        %swap3A_305 = arith.constant 48 : index
        %swap3A_306 = tpu.vector_load %arg9[%swap3A_303, %swap3A_304, %swap3A_305] {strides = array<i32>} : memref<25x8x64xf32, #tpu.memory_space<vmem>>, vector<1x1x16xf32>,
        %swap3A_307 = vector.shape_cast %swap3A_306 : vector<1x1x16xf32> to vector<16xf32>
        %swap3A_308 = vector.shape_cast %get3A_301 : vector<16xf32> to vector<1x1x16xf32>
        tpu.vector_store %arg9[%swap3A_303, %swap3A_304, %swap3A_305], %swap3A_308 {strides = array<i32>} : memref<25x8x64xf32, #tpu.memory_space<vmem>>, vector<1x1x16xf32>,
        %mul3A_309 = arith.constant 8 : i32
        %mul3A_310 = arith.muli %scan3A_130, %mul3A_309 : i32
        %add3A_311 = arith.constant 3 : i32
        %add3A_312 = arith.addi %mul3A_310, %add3A_311 : i32
        %get3A_313 = arith.index_cast %add3A_312 : i32 to index
        %get3A_314 = arith.constant 0 : index
        %get3A_315 = tpu.vector_load %arg7[%get3A_313, %get3A_314] {strides = array<i32>} : memref<200x128xf32, #tpu.memory_space<vmem>>, vector<1x16xf32>,
        %get3A_316 = vector.shape_cast %get3A_315 : vector<1x16xf32> to vector<16xf32>
        %swap3A_317 = arith.constant 3 : i32
        %swap3A_318 = arith.index_cast %scan3A_130 : i32 to index
        %swap3A_319 = arith.index_cast %swap3A_317 : i32 to index
        %swap3A_320 = arith.constant 0 : index
        %swap3A_321 = tpu.vector_load %arg9[%swap3A_318, %swap3A_319, %swap3A_320] {strides = array<i32>} : memref<25x8x64xf32, #tpu.memory_space<vmem>>, vector<1x1x16xf32>,
        %swap3A_322 = vector.shape_cast %swap3A_321 : vector<1x1x16xf32> to vector<16xf32>
        %swap3A_323 = vector.shape_cast %get3A_316 : vector<16xf32> to vector<1x1x16xf32>
        tpu.vector_store %arg9[%swap3A_318, %swap3A_319, %swap3A_320], %swap3A_323 {strides = array<i32>} : memref<25x8x64xf32, #tpu.memory_space<vmem>>, vector<1x1x16xf32>,
        %mul3A_324 = arith.constant 8 : i32
        %mul3A_325 = arith.muli %scan3A_130, %mul3A_324 : i32
        %add3A_326 = arith.constant 3 : i32
        %add3A_327 = arith.addi %mul3A_325, %add3A_326 : i32
        %get3A_328 = arith.index_cast %add3A_327 : i32 to index
        %get3A_329 = arith.constant 16 : index
        %get3A_330 = tpu.vector_load %arg7[%get3A_328, %get3A_329] {strides = array<i32>} : memref<200x128xf32, #tpu.memory_space<vmem>>, vector<1x16xf32>,
        %get3A_331 = vector.shape_cast %get3A_330 : vector<1x16xf32> to vector<16xf32>
        %swap3A_332 = arith.constant 3 : i32
        %swap3A_333 = arith.index_cast %scan3A_130 : i32 to index
        %swap3A_334 = arith.index_cast %swap3A_332 : i32 to index
        %swap3A_335 = arith.constant 16 : index
        %swap3A_336 = tpu.vector_load %arg9[%swap3A_333, %swap3A_334, %swap3A_335] {strides = array<i32>} : memref<25x8x64xf32, #tpu.memory_space<vmem>>, vector<1x1x16xf32>,
        %swap3A_337 = vector.shape_cast %swap3A_336 : vector<1x1x16xf32> to vector<16xf32>
        %swap3A_338 = vector.shape_cast %get3A_331 : vector<16xf32> to vector<1x1x16xf32>
        tpu.vector_store %arg9[%swap3A_333, %swap3A_334, %swap3A_335], %swap3A_338 {strides = array<i32>} : memref<25x8x64xf32, #tpu.memory_space<vmem>>, vector<1x1x16xf32>,
        %mul3A_339 = arith.constant 8 : i32
        %mul3A_340 = arith.muli %scan3A_130, %mul3A_339 : i32
        %add3A_341 = arith.constant 3 : i32
        %add3A_342 = arith.addi %mul3A_340, %add3A_341 : i32
        %get3A_343 = arith.index_cast %add3A_342 : i32 to index
        %get3A_344 = arith.constant 32 : index
        %get3A_345 = tpu.vector_load %arg7[%get3A_343, %get3A_344] {strides = array<i32>} : memref<200x128xf32, #tpu.memory_space<vmem>>, vector<1x16xf32>,
        %get3A_346 = vector.shape_cast %get3A_345 : vector<1x16xf32> to vector<16xf32>
        %swap3A_347 = arith.constant 3 : i32
        %swap3A_348 = arith.index_cast %scan3A_130 : i32 to index
        %swap3A_349 = arith.index_cast %swap3A_347 : i32 to index
        %swap3A_350 = arith.constant 32 : index
        %swap3A_351 = tpu.vector_load %arg9[%swap3A_348, %swap3A_349, %swap3A_350] {strides = array<i32>} : memref<25x8x64xf32, #tpu.memory_space<vmem>>, vector<1x1x16xf32>,
        %swap3A_352 = vector.shape_cast %swap3A_351 : vector<1x1x16xf32> to vector<16xf32>
        %swap3A_353 = vector.shape_cast %get3A_346 : vector<16xf32> to vector<1x1x16xf32>
        tpu.vector_store %arg9[%swap3A_348, %swap3A_349, %swap3A_350], %swap3A_353 {strides = array<i32>} : memref<25x8x64xf32, #tpu.memory_space<vmem>>, vector<1x1x16xf32>,
        %mul3A_354 = arith.constant 8 : i32
        %mul3A_355 = arith.muli %scan3A_130, %mul3A_354 : i32
        %add3A_356 = arith.constant 3 : i32
        %add3A_357 = arith.addi %mul3A_355, %add3A_356 : i32
        %get3A_358 = arith.index_cast %add3A_357 : i32 to index
        %get3A_359 = arith.constant 48 : index
        %get3A_360 = tpu.vector_load %arg7[%get3A_358, %get3A_359] {strides = array<i32>} : memref<200x128xf32, #tpu.memory_space<vmem>>, vector<1x16xf32>,
        %get3A_361 = vector.shape_cast %get3A_360 : vector<1x16xf32> to vector<16xf32>
        %swap3A_362 = arith.constant 3 : i32
        %swap3A_363 = arith.index_cast %scan3A_130 : i32 to index
        %swap3A_364 = arith.index_cast %swap3A_362 : i32 to index
        %swap3A_365 = arith.constant 48 : index
        %swap3A_366 = tpu.vector_load %arg9[%swap3A_363, %swap3A_364, %swap3A_365] {strides = array<i32>} : memref<25x8x64xf32, #tpu.memory_space<vmem>>, vector<1x1x16xf32>,
        %swap3A_367 = vector.shape_cast %swap3A_366 : vector<1x1x16xf32> to vector<16xf32>
        %swap3A_368 = vector.shape_cast %get3A_361 : vector<16xf32> to vector<1x1x16xf32>
        tpu.vector_store %arg9[%swap3A_363, %swap3A_364, %swap3A_365], %swap3A_368 {strides = array<i32>} : memref<25x8x64xf32, #tpu.memory_space<vmem>>, vector<1x1x16xf32>,
        %mul3A_369 = arith.constant 8 : i32
        %mul3A_370 = arith.muli %scan3A_130, %mul3A_369 : i32
        %add3A_371 = arith.constant 4 : i32
        %add3A_372 = arith.addi %mul3A_370, %add3A_371 : i32
        %get3A_373 = arith.index_cast %add3A_372 : i32 to index
        %get3A_374 = arith.constant 0 : index
        %get3A_375 = tpu.vector_load %arg7[%get3A_373, %get3A_374] {strides = array<i32>} : memref<200x128xf32, #tpu.memory_space<vmem>>, vector<1x16xf32>,
        %get3A_376 = vector.shape_cast %get3A_375 : vector<1x16xf32> to vector<16xf32>
        %swap3A_377 = arith.constant 4 : i32
        %swap3A_378 = arith.index_cast %scan3A_130 : i32 to index
        %swap3A_379 = arith.index_cast %swap3A_377 : i32 to index
        %swap3A_380 = arith.constant 0 : index
        %swap3A_381 = tpu.vector_load %arg9[%swap3A_378, %swap3A_379, %swap3A_380] {strides = array<i32>} : memref<25x8x64xf32, #tpu.memory_space<vmem>>, vector<1x1x16xf32>,
        %swap3A_382 = vector.shape_cast %swap3A_381 : vector<1x1x16xf32> to vector<16xf32>
        %swap3A_383 = vector.shape_cast %get3A_376 : vector<16xf32> to vector<1x1x16xf32>
        tpu.vector_store %arg9[%swap3A_378, %swap3A_379, %swap3A_380], %swap3A_383 {strides = array<i32>} : memref<25x8x64xf32, #tpu.memory_space<vmem>>, vector<1x1x16xf32>,
        %mul3A_384 = arith.constant 8 : i32
        %mul3A_385 = arith.muli %scan3A_130, %mul3A_384 : i32
        %add3A_386 = arith.constant 4 : i32
        %add3A_387 = arith.addi %mul3A_385, %add3A_386 : i32
        %get3A_388 = arith.index_cast %add3A_387 : i32 to index
        %get3A_389 = arith.constant 16 : index
        %get3A_390 = tpu.vector_load %arg7[%get3A_388, %get3A_389] {strides = array<i32>} : memref<200x128xf32, #tpu.memory_space<vmem>>, vector<1x16xf32>,
        %get3A_391 = vector.shape_cast %get3A_390 : vector<1x16xf32> to vector<16xf32>
        %swap3A_392 = arith.constant 4 : i32
        %swap3A_393 = arith.index_cast %scan3A_130 : i32 to index
        %swap3A_394 = arith.index_cast %swap3A_392 : i32 to index
        %swap3A_395 = arith.constant 16 : index
        %swap3A_396 = tpu.vector_load %arg9[%swap3A_393, %swap3A_394, %swap3A_395] {strides = array<i32>} : memref<25x8x64xf32, #tpu.memory_space<vmem>>, vector<1x1x16xf32>,
        %swap3A_397 = vector.shape_cast %swap3A_396 : vector<1x1x16xf32> to vector<16xf32>
        %swap3A_398 = vector.shape_cast %get3A_391 : vector<16xf32> to vector<1x1x16xf32>
        tpu.vector_store %arg9[%swap3A_393, %swap3A_394, %swap3A_395], %swap3A_398 {strides = array<i32>} : memref<25x8x64xf32, #tpu.memory_space<vmem>>, vector<1x1x16xf32>,
        %mul3A_399 = arith.constant 8 : i32
        %mul3A_400 = arith.muli %scan3A_130, %mul3A_399 : i32
        %add3A_401 = arith.constant 4 : i32
        %add3A_402 = arith.addi %mul3A_400, %add3A_401 : i32
        %get3A_403 = arith.index_cast %add3A_402 : i32 to index
        %get3A_404 = arith.constant 32 : index
        %get3A_405 = tpu.vector_load %arg7[%get3A_403, %get3A_404] {strides = array<i32>} : memref<200x128xf32, #tpu.memory_space<vmem>>, vector<1x16xf32>,
        %get3A_406 = vector.shape_cast %get3A_405 : vector<1x16xf32> to vector<16xf32>
        %swap3A_407 = arith.constant 4 : i32
        %swap3A_408 = arith.index_cast %scan3A_130 : i32 to index
        %swap3A_409 = arith.index_cast %swap3A_407 : i32 to index
        %swap3A_410 = arith.constant 32 : index
        %swap3A_411 = tpu.vector_load %arg9[%swap3A_408, %swap3A_409, %swap3A_410] {strides = array<i32>} : memref<25x8x64xf32, #tpu.memory_space<vmem>>, vector<1x1x16xf32>,
        %swap3A_412 = vector.shape_cast %swap3A_411 : vector<1x1x16xf32> to vector<16xf32>
        %swap3A_413 = vector.shape_cast %get3A_406 : vector<16xf32> to vector<1x1x16xf32>
        tpu.vector_store %arg9[%swap3A_408, %swap3A_409, %swap3A_410], %swap3A_413 {strides = array<i32>} : memref<25x8x64xf32, #tpu.memory_space<vmem>>, vector<1x1x16xf32>,
        %mul3A_414 = arith.constant 8 : i32
        %mul3A_415 = arith.muli %scan3A_130, %mul3A_414 : i32
        %add3A_416 = arith.constant 4 : i32
        %add3A_417 = arith.addi %mul3A_415, %add3A_416 : i32
        %get3A_418 = arith.index_cast %add3A_417 : i32 to index
        %get3A_419 = arith.constant 48 : index
        %get3A_420 = tpu.vector_load %arg7[%get3A_418, %get3A_419] {strides = array<i32>} : memref<200x128xf32, #tpu.memory_space<vmem>>, vector<1x16xf32>,
        %get3A_421 = vector.shape_cast %get3A_420 : vector<1x16xf32> to vector<16xf32>
        %swap3A_422 = arith.constant 4 : i32
        %swap3A_423 = arith.index_cast %scan3A_130 : i32 to index
        %swap3A_424 = arith.index_cast %swap3A_422 : i32 to index
        %swap3A_425 = arith.constant 48 : index
        %swap3A_426 = tpu.vector_load %arg9[%swap3A_423, %swap3A_424, %swap3A_425] {strides = array<i32>} : memref<25x8x64xf32, #tpu.memory_space<vmem>>, vector<1x1x16xf32>,
        %swap3A_427 = vector.shape_cast %swap3A_426 : vector<1x1x16xf32> to vector<16xf32>
        %swap3A_428 = vector.shape_cast %get3A_421 : vector<16xf32> to vector<1x1x16xf32>
        tpu.vector_store %arg9[%swap3A_423, %swap3A_424, %swap3A_425], %swap3A_428 {strides = array<i32>} : memref<25x8x64xf32, #tpu.memory_space<vmem>>, vector<1x1x16xf32>,
        %mul3A_429 = arith.constant 8 : i32
        %mul3A_430 = arith.muli %scan3A_130, %mul3A_429 : i32
        %add3A_431 = arith.constant 5 : i32
        %add3A_432 = arith.addi %mul3A_430, %add3A_431 : i32
        %get3A_433 = arith.index_cast %add3A_432 : i32 to index
        %get3A_434 = arith.constant 0 : index
        %get3A_435 = tpu.vector_load %arg7[%get3A_433, %get3A_434] {strides = array<i32>} : memref<200x128xf32, #tpu.memory_space<vmem>>, vector<1x16xf32>,
        %get3A_436 = vector.shape_cast %get3A_435 : vector<1x16xf32> to vector<16xf32>
        %swap3A_437 = arith.constant 5 : i32
        %swap3A_438 = arith.index_cast %scan3A_130 : i32 to index
        %swap3A_439 = arith.index_cast %swap3A_437 : i32 to index
        %swap3A_440 = arith.constant 0 : index
        %swap3A_441 = tpu.vector_load %arg9[%swap3A_438, %swap3A_439, %swap3A_440] {strides = array<i32>} : memref<25x8x64xf32, #tpu.memory_space<vmem>>, vector<1x1x16xf32>,
        %swap3A_442 = vector.shape_cast %swap3A_441 : vector<1x1x16xf32> to vector<16xf32>
        %swap3A_443 = vector.shape_cast %get3A_436 : vector<16xf32> to vector<1x1x16xf32>
        tpu.vector_store %arg9[%swap3A_438, %swap3A_439, %swap3A_440], %swap3A_443 {strides = array<i32>} : memref<25x8x64xf32, #tpu.memory_space<vmem>>, vector<1x1x16xf32>,
        %mul3A_444 = arith.constant 8 : i32
        %mul3A_445 = arith.muli %scan3A_130, %mul3A_444 : i32
        %add3A_446 = arith.constant 5 : i32
        %add3A_447 = arith.addi %mul3A_445, %add3A_446 : i32
        %get3A_448 = arith.index_cast %add3A_447 : i32 to index
        %get3A_449 = arith.constant 16 : index
        %get3A_450 = tpu.vector_load %arg7[%get3A_448, %get3A_449] {strides = array<i32>} : memref<200x128xf32, #tpu.memory_space<vmem>>, vector<1x16xf32>,
        %get3A_451 = vector.shape_cast %get3A_450 : vector<1x16xf32> to vector<16xf32>
        %swap3A_452 = arith.constant 5 : i32
        %swap3A_453 = arith.index_cast %scan3A_130 : i32 to index
        %swap3A_454 = arith.index_cast %swap3A_452 : i32 to index
        %swap3A_455 = arith.constant 16 : index
        %swap3A_456 = tpu.vector_load %arg9[%swap3A_453, %swap3A_454, %swap3A_455] {strides = array<i32>} : memref<25x8x64xf32, #tpu.memory_space<vmem>>, vector<1x1x16xf32>,
        %swap3A_457 = vector.shape_cast %swap3A_456 : vector<1x1x16xf32> to vector<16xf32>
        %swap3A_458 = vector.shape_cast %get3A_451 : vector<16xf32> to vector<1x1x16xf32>
        tpu.vector_store %arg9[%swap3A_453, %swap3A_454, %swap3A_455], %swap3A_458 {strides = array<i32>} : memref<25x8x64xf32, #tpu.memory_space<vmem>>, vector<1x1x16xf32>,
        %mul3A_459 = arith.constant 8 : i32
        %mul3A_460 = arith.muli %scan3A_130, %mul3A_459 : i32
        %add3A_461 = arith.constant 5 : i32
        %add3A_462 = arith.addi %mul3A_460, %add3A_461 : i32
        %get3A_463 = arith.index_cast %add3A_462 : i32 to index
        %get3A_464 = arith.constant 32 : index
        %get3A_465 = tpu.vector_load %arg7[%get3A_463, %get3A_464] {strides = array<i32>} : memref<200x128xf32, #tpu.memory_space<vmem>>, vector<1x16xf32>,
        %get3A_466 = vector.shape_cast %get3A_465 : vector<1x16xf32> to vector<16xf32>
        %swap3A_467 = arith.constant 5 : i32
        %swap3A_468 = arith.index_cast %scan3A_130 : i32 to index
        %swap3A_469 = arith.index_cast %swap3A_467 : i32 to index
        %swap3A_470 = arith.constant 32 : index
        %swap3A_471 = tpu.vector_load %arg9[%swap3A_468, %swap3A_469, %swap3A_470] {strides = array<i32>} : memref<25x8x64xf32, #tpu.memory_space<vmem>>, vector<1x1x16xf32>,
        %swap3A_472 = vector.shape_cast %swap3A_471 : vector<1x1x16xf32> to vector<16xf32>
        %swap3A_473 = vector.shape_cast %get3A_466 : vector<16xf32> to vector<1x1x16xf32>
        tpu.vector_store %arg9[%swap3A_468, %swap3A_469, %swap3A_470], %swap3A_473 {strides = array<i32>} : memref<25x8x64xf32, #tpu.memory_space<vmem>>, vector<1x1x16xf32>,
        %mul3A_474 = arith.constant 8 : i32
        %mul3A_475 = arith.muli %scan3A_130, %mul3A_474 : i32
        %add3A_476 = arith.constant 5 : i32
        %add3A_477 = arith.addi %mul3A_475, %add3A_476 : i32
        %get3A_478 = arith.index_cast %add3A_477 : i32 to index
        %get3A_479 = arith.constant 48 : index
        %get3A_480 = tpu.vector_load %arg7[%get3A_478, %get3A_479] {strides = array<i32>} : memref<200x128xf32, #tpu.memory_space<vmem>>, vector<1x16xf32>,
        %get3A_481 = vector.shape_cast %get3A_480 : vector<1x16xf32> to vector<16xf32>
        %swap3A_482 = arith.constant 5 : i32
        %swap3A_483 = arith.index_cast %scan3A_130 : i32 to index
        %swap3A_484 = arith.index_cast %swap3A_482 : i32 to index
        %swap3A_485 = arith.constant 48 : index
        %swap3A_486 = tpu.vector_load %arg9[%swap3A_483, %swap3A_484, %swap3A_485] {strides = array<i32>} : memref<25x8x64xf32, #tpu.memory_space<vmem>>, vector<1x1x16xf32>,
        %swap3A_487 = vector.shape_cast %swap3A_486 : vector<1x1x16xf32> to vector<16xf32>
        %swap3A_488 = vector.shape_cast %get3A_481 : vector<16xf32> to vector<1x1x16xf32>
        tpu.vector_store %arg9[%swap3A_483, %swap3A_484, %swap3A_485], %swap3A_488 {strides = array<i32>} : memref<25x8x64xf32, #tpu.memory_space<vmem>>, vector<1x1x16xf32>,
        %mul3A_489 = arith.constant 8 : i32
        %mul3A_490 = arith.muli %scan3A_130, %mul3A_489 : i32
        %add3A_491 = arith.constant 6 : i32
        %add3A_492 = arith.addi %mul3A_490, %add3A_491 : i32
        %get3A_493 = arith.index_cast %add3A_492 : i32 to index
        %get3A_494 = arith.constant 0 : index
        %get3A_495 = tpu.vector_load %arg7[%get3A_493, %get3A_494] {strides = array<i32>} : memref<200x128xf32, #tpu.memory_space<vmem>>, vector<1x16xf32>,
        %get3A_496 = vector.shape_cast %get3A_495 : vector<1x16xf32> to vector<16xf32>
        %swap3A_497 = arith.constant 6 : i32
        %swap3A_498 = arith.index_cast %scan3A_130 : i32 to index
        %swap3A_499 = arith.index_cast %swap3A_497 : i32 to index
        %swap3A_500 = arith.constant 0 : index
        %swap3A_501 = tpu.vector_load %arg9[%swap3A_498, %swap3A_499, %swap3A_500] {strides = array<i32>} : memref<25x8x64xf32, #tpu.memory_space<vmem>>, vector<1x1x16xf32>,
        %swap3A_502 = vector.shape_cast %swap3A_501 : vector<1x1x16xf32> to vector<16xf32>
        %swap3A_503 = vector.shape_cast %get3A_496 : vector<16xf32> to vector<1x1x16xf32>
        tpu.vector_store %arg9[%swap3A_498, %swap3A_499, %swap3A_500], %swap3A_503 {strides = array<i32>} : memref<25x8x64xf32, #tpu.memory_space<vmem>>, vector<1x1x16xf32>,
        %mul3A_504 = arith.constant 8 : i32
        %mul3A_505 = arith.muli %scan3A_130, %mul3A_504 : i32
        %add3A_506 = arith.constant 6 : i32
        %add3A_507 = arith.addi %mul3A_505, %add3A_506 : i32
        %get3A_508 = arith.index_cast %add3A_507 : i32 to index
        %get3A_509 = arith.constant 16 : index
        %get3A_510 = tpu.vector_load %arg7[%get3A_508, %get3A_509] {strides = array<i32>} : memref<200x128xf32, #tpu.memory_space<vmem>>, vector<1x16xf32>,
        %get3A_511 = vector.shape_cast %get3A_510 : vector<1x16xf32> to vector<16xf32>
        %swap3A_512 = arith.constant 6 : i32
        %swap3A_513 = arith.index_cast %scan3A_130 : i32 to index
        %swap3A_514 = arith.index_cast %swap3A_512 : i32 to index
        %swap3A_515 = arith.constant 16 : index
        %swap3A_516 = tpu.vector_load %arg9[%swap3A_513, %swap3A_514, %swap3A_515] {strides = array<i32>} : memref<25x8x64xf32, #tpu.memory_space<vmem>>, vector<1x1x16xf32>,
        %swap3A_517 = vector.shape_cast %swap3A_516 : vector<1x1x16xf32> to vector<16xf32>
        %swap3A_518 = vector.shape_cast %get3A_511 : vector<16xf32> to vector<1x1x16xf32>
        tpu.vector_store %arg9[%swap3A_513, %swap3A_514, %swap3A_515], %swap3A_518 {strides = array<i32>} : memref<25x8x64xf32, #tpu.memory_space<vmem>>, vector<1x1x16xf32>,
        %mul3A_519 = arith.constant 8 : i32
        %mul3A_520 = arith.muli %scan3A_130, %mul3A_519 : i32
        %add3A_521 = arith.constant 6 : i32
        %add3A_522 = arith.addi %mul3A_520, %add3A_521 : i32
        %get3A_523 = arith.index_cast %add3A_522 : i32 to index
        %get3A_524 = arith.constant 32 : index
        %get3A_525 = tpu.vector_load %arg7[%get3A_523, %get3A_524] {strides = array<i32>} : memref<200x128xf32, #tpu.memory_space<vmem>>, vector<1x16xf32>,
        %get3A_526 = vector.shape_cast %get3A_525 : vector<1x16xf32> to vector<16xf32>
        %swap3A_527 = arith.constant 6 : i32
        %swap3A_528 = arith.index_cast %scan3A_130 : i32 to index
        %swap3A_529 = arith.index_cast %swap3A_527 : i32 to index
        %swap3A_530 = arith.constant 32 : index
        %swap3A_531 = tpu.vector_load %arg9[%swap3A_528, %swap3A_529, %swap3A_530] {strides = array<i32>} : memref<25x8x64xf32, #tpu.memory_space<vmem>>, vector<1x1x16xf32>,
        %swap3A_532 = vector.shape_cast %swap3A_531 : vector<1x1x16xf32> to vector<16xf32>
        %swap3A_533 = vector.shape_cast %get3A_526 : vector<16xf32> to vector<1x1x16xf32>
        tpu.vector_store %arg9[%swap3A_528, %swap3A_529, %swap3A_530], %swap3A_533 {strides = array<i32>} : memref<25x8x64xf32, #tpu.memory_space<vmem>>, vector<1x1x16xf32>,
        %mul3A_534 = arith.constant 8 : i32
        %mul3A_535 = arith.muli %scan3A_130, %mul3A_534 : i32
        %add3A_536 = arith.constant 6 : i32
        %add3A_537 = arith.addi %mul3A_535, %add3A_536 : i32
        %get3A_538 = arith.index_cast %add3A_537 : i32 to index
        %get3A_539 = arith.constant 48 : index
        %get3A_540 = tpu.vector_load %arg7[%get3A_538, %get3A_539] {strides = array<i32>} : memref<200x128xf32, #tpu.memory_space<vmem>>, vector<1x16xf32>,
        %get3A_541 = vector.shape_cast %get3A_540 : vector<1x16xf32> to vector<16xf32>
        %swap3A_542 = arith.constant 6 : i32
        %swap3A_543 = arith.index_cast %scan3A_130 : i32 to index
        %swap3A_544 = arith.index_cast %swap3A_542 : i32 to index
        %swap3A_545 = arith.constant 48 : index
        %swap3A_546 = tpu.vector_load %arg9[%swap3A_543, %swap3A_544, %swap3A_545] {strides = array<i32>} : memref<25x8x64xf32, #tpu.memory_space<vmem>>, vector<1x1x16xf32>,
        %swap3A_547 = vector.shape_cast %swap3A_546 : vector<1x1x16xf32> to vector<16xf32>
        %swap3A_548 = vector.shape_cast %get3A_541 : vector<16xf32> to vector<1x1x16xf32>
        tpu.vector_store %arg9[%swap3A_543, %swap3A_544, %swap3A_545], %swap3A_548 {strides = array<i32>} : memref<25x8x64xf32, #tpu.memory_space<vmem>>, vector<1x1x16xf32>,
        %mul3A_549 = arith.constant 8 : i32
        %mul3A_550 = arith.muli %scan3A_130, %mul3A_549 : i32
        %add3A_551 = arith.constant 7 : i32
        %add3A_552 = arith.addi %mul3A_550, %add3A_551 : i32
        %get3A_553 = arith.index_cast %add3A_552 : i32 to index
        %get3A_554 = arith.constant 0 : index
        %get3A_555 = tpu.vector_load %arg7[%get3A_553, %get3A_554] {strides = array<i32>} : memref<200x128xf32, #tpu.memory_space<vmem>>, vector<1x16xf32>,
        %get3A_556 = vector.shape_cast %get3A_555 : vector<1x16xf32> to vector<16xf32>
        %swap3A_557 = arith.constant 7 : i32
        %swap3A_558 = arith.index_cast %scan3A_130 : i32 to index
        %swap3A_559 = arith.index_cast %swap3A_557 : i32 to index
        %swap3A_560 = arith.constant 0 : index
        %swap3A_561 = tpu.vector_load %arg9[%swap3A_558, %swap3A_559, %swap3A_560] {strides = array<i32>} : memref<25x8x64xf32, #tpu.memory_space<vmem>>, vector<1x1x16xf32>,
        %swap3A_562 = vector.shape_cast %swap3A_561 : vector<1x1x16xf32> to vector<16xf32>
        %swap3A_563 = vector.shape_cast %get3A_556 : vector<16xf32> to vector<1x1x16xf32>
        tpu.vector_store %arg9[%swap3A_558, %swap3A_559, %swap3A_560], %swap3A_563 {strides = array<i32>} : memref<25x8x64xf32, #tpu.memory_space<vmem>>, vector<1x1x16xf32>,
        %mul3A_564 = arith.constant 8 : i32
        %mul3A_565 = arith.muli %scan3A_130, %mul3A_564 : i32
        %add3A_566 = arith.constant 7 : i32
        %add3A_567 = arith.addi %mul3A_565, %add3A_566 : i32
        %get3A_568 = arith.index_cast %add3A_567 : i32 to index
        %get3A_569 = arith.constant 16 : index
        %get3A_570 = tpu.vector_load %arg7[%get3A_568, %get3A_569] {strides = array<i32>} : memref<200x128xf32, #tpu.memory_space<vmem>>, vector<1x16xf32>,
        %get3A_571 = vector.shape_cast %get3A_570 : vector<1x16xf32> to vector<16xf32>
        %swap3A_572 = arith.constant 7 : i32
        %swap3A_573 = arith.index_cast %scan3A_130 : i32 to index
        %swap3A_574 = arith.index_cast %swap3A_572 : i32 to index
        %swap3A_575 = arith.constant 16 : index
        %swap3A_576 = tpu.vector_load %arg9[%swap3A_573, %swap3A_574, %swap3A_575] {strides = array<i32>} : memref<25x8x64xf32, #tpu.memory_space<vmem>>, vector<1x1x16xf32>,
        %swap3A_577 = vector.shape_cast %swap3A_576 : vector<1x1x16xf32> to vector<16xf32>
        %swap3A_578 = vector.shape_cast %get3A_571 : vector<16xf32> to vector<1x1x16xf32>
        tpu.vector_store %arg9[%swap3A_573, %swap3A_574, %swap3A_575], %swap3A_578 {strides = array<i32>} : memref<25x8x64xf32, #tpu.memory_space<vmem>>, vector<1x1x16xf32>,
        %mul3A_579 = arith.constant 8 : i32
        %mul3A_580 = arith.muli %scan3A_130, %mul3A_579 : i32
        %add3A_581 = arith.constant 7 : i32
        %add3A_582 = arith.addi %mul3A_580, %add3A_581 : i32
        %get3A_583 = arith.index_cast %add3A_582 : i32 to index
        %get3A_584 = arith.constant 32 : index
        %get3A_585 = tpu.vector_load %arg7[%get3A_583, %get3A_584] {strides = array<i32>} : memref<200x128xf32, #tpu.memory_space<vmem>>, vector<1x16xf32>,
        %get3A_586 = vector.shape_cast %get3A_585 : vector<1x16xf32> to vector<16xf32>
        %swap3A_587 = arith.constant 7 : i32
        %swap3A_588 = arith.index_cast %scan3A_130 : i32 to index
        %swap3A_589 = arith.index_cast %swap3A_587 : i32 to index
        %swap3A_590 = arith.constant 32 : index
        %swap3A_591 = tpu.vector_load %arg9[%swap3A_588, %swap3A_589, %swap3A_590] {strides = array<i32>} : memref<25x8x64xf32, #tpu.memory_space<vmem>>, vector<1x1x16xf32>,
        %swap3A_592 = vector.shape_cast %swap3A_591 : vector<1x1x16xf32> to vector<16xf32>
        %swap3A_593 = vector.shape_cast %get3A_586 : vector<16xf32> to vector<1x1x16xf32>
        tpu.vector_store %arg9[%swap3A_588, %swap3A_589, %swap3A_590], %swap3A_593 {strides = array<i32>} : memref<25x8x64xf32, #tpu.memory_space<vmem>>, vector<1x1x16xf32>,
        %mul3A_594 = arith.constant 8 : i32
        %mul3A_595 = arith.muli %scan3A_130, %mul3A_594 : i32
        %add3A_596 = arith.constant 7 : i32
        %add3A_597 = arith.addi %mul3A_595, %add3A_596 : i32
        %get3A_598 = arith.index_cast %add3A_597 : i32 to index
        %get3A_599 = arith.constant 48 : index
        %get3A_600 = tpu.vector_load %arg7[%get3A_598, %get3A_599] {strides = array<i32>} : memref<200x128xf32, #tpu.memory_space<vmem>>, vector<1x16xf32>,
        %get3A_601 = vector.shape_cast %get3A_600 : vector<1x16xf32> to vector<16xf32>
        %swap3A_602 = arith.constant 7 : i32
        %swap3A_603 = arith.index_cast %scan3A_130 : i32 to index
        %swap3A_604 = arith.index_cast %swap3A_602 : i32 to index
        %swap3A_605 = arith.constant 48 : index
        %swap3A_606 = tpu.vector_load %arg9[%swap3A_603, %swap3A_604, %swap3A_605] {strides = array<i32>} : memref<25x8x64xf32, #tpu.memory_space<vmem>>, vector<1x1x16xf32>,
        %swap3A_607 = vector.shape_cast %swap3A_606 : vector<1x1x16xf32> to vector<16xf32>
        %swap3A_608 = vector.shape_cast %get3A_601 : vector<16xf32> to vector<1x1x16xf32>
        tpu.vector_store %arg9[%swap3A_603, %swap3A_604, %swap3A_605], %swap3A_608 {strides = array<i32>} : memref<25x8x64xf32, #tpu.memory_space<vmem>>, vector<1x1x16xf32>,
      }
      %scan3A_96 = arith.constant 25 : i32
      %mul3A_97 = arith.constant 200 : i32
      %mul3A_98 = arith.muli %add3A_72, %mul3A_97 : i32
      %add3A_99 = arith.addi %mul3A_2, %mul3A_98 : i32
      %jit3A_100 = arith.constant 8 : i32
      %div3A_101 = arith.divsi %add3A_99, %jit3A_100 : i32
      %sign3A_102 = arith.constant 0 : i32
      %sign3A_103 = arith.cmpi sgt, %add3A_99, %sign3A_102 : i32
      %sign3A_104 = arith.extui %sign3A_103 : i1 to i32
      %sign3A_105 = arith.constant 0 : i32
      %sign3A_106 = arith.cmpi slt, %add3A_99, %sign3A_105 : i32
      %sign3A_107 = arith.extui %sign3A_106 : i1 to i32
      %sign3A_108 = arith.subi %sign3A_104, %sign3A_107 : i32
      %sign3A_109 = arith.constant 0 : i32
      %sign3A_110 = arith.cmpi sgt, %jit3A_100, %sign3A_109 : i32
      %sign3A_111 = arith.extui %sign3A_110 : i1 to i32
      %sign3A_112 = arith.constant 0 : i32
      %sign3A_113 = arith.cmpi slt, %jit3A_100, %sign3A_112 : i32
      %sign3A_114 = arith.extui %sign3A_113 : i1 to i32
      %sign3A_115 = arith.subi %sign3A_111, %sign3A_114 : i32
      %ne3A_116 = arith.cmpi ne, %sign3A_108, %sign3A_115 : i32
      %rem3A_117 = arith.remsi %add3A_99, %jit3A_100 : i32
      %ne3A_118 = arith.constant 0 : i32
      %ne3A_119 = arith.cmpi ne, %rem3A_117, %ne3A_118 : i32
      %and3A_120 = arith.andi %ne3A_116, %ne3A_119 : i1
      %sub3A_121 = arith.constant 1 : i32
      %sub3A_122 = arith.subi %div3A_101, %sub3A_121 : i32
      %select_n3A_123 = arith.select %and3A_120, %sub3A_122, %div3A_101 : i32
      %dma_start3A_124 = arith.constant 0 : i32
      %dma_start3A_125 = arith.constant 0 : i32
      %dma_start3A_126 = tpu.memref_slice %arg4[%select_n3A_123, %dma_start3A_124, %dma_start3A_125] : memref<102400x8x64xf32, #tpu.memory_space<hbm>> -> memref<25x8x64xf32, #tpu.memory_space<hbm>>
      %dma_start3A_127 = arith.constant 0 : i32
      %dma_start3A_128 = arith.constant 0 : i32
      %dma_start3A_129 = tpu.memref_slice %arg4[%select_n3A_123, %dma_start3A_127, %dma_start3A_128] : memref<102400x8x64xf32, #tpu.memory_space<hbm>> -> memref<25x8x64xf32, #tpu.memory_space<hbm>>
      tpu.enqueue_dma source(%arg9 : memref<25x8x64xf32, #tpu.memory_space<vmem>>) target(%dma_start3A_129 : memref<25x8x64xf32, #tpu.memory_space<hbm>>) target_semaphore(%arg13 : memref<!tpu.dma_semaphore, #tpu.memory_space<semaphore_mem>>)
    }
    %scan3A_11 = arith.constant 64 : i32
    %dma_wait3A = arith.constant 0 : i32
    %dma_wait3A_12 = arith.constant 0 : i32
    %dma_wait3A_13 = arith.constant 0 : i32
    %dma_wait3A_14 = tpu.memref_slice %arg4[%dma_wait3A, %dma_wait3A_12, %dma_wait3A_13] : memref<102400x8x64xf32, #tpu.memory_space<hbm>> -> memref<25x8x64xf32, #tpu.memory_space<hbm>>
    %dma_wait3A_15 = arith.constant 0 : i32
    %dma_wait3A_16 = arith.constant 0 : i32
    %dma_wait3A_17 = arith.constant 0 : i32
    %dma_wait3A_18 = tpu.memref_slice %arg4[%dma_wait3A_15, %dma_wait3A_16, %dma_wait3A_17] : memref<102400x8x64xf32, #tpu.memory_space<hbm>> -> memref<25x8x64xf32, #tpu.memory_space<hbm>>
    tpu.wait_dma2 semaphore(%arg13 : memref<!tpu.dma_semaphore, #tpu.memory_space<semaphore_mem>>) src(%arg9 : memref<25x8x64xf32, #tpu.memory_space<vmem>>) dst(%dma_wait3A_18 : memref<25x8x64xf32, #tpu.memory_space<hbm>>)
    return
  }
}

</mosaic_0001>

<sc_bundles>
// kernel: kernel.3.cloned.1.call-start
scs
__scs_entry_jumppad:
0x0: {  	(pc) =	sbr.rel $0x88, $3  }
0x1: {  	(tag) =	ssettag $0x0;
	lr =	simm.s32 $0x1  }
0x2: {  	[smem:$0x3F9F] =	sst lr;
	_ =	strace $0xD0000000  }
0x3: {  	_ = 	snop  }
0x4: {  	_ = 	snop  }
0x5: {  	_ = 	snop  }
0x6: {  	_ = 	snop  }
0x7: {  	_ = 	snop  }
__scs_overlays_trampoline_lowered:
0x8: {  	[smem:$0x3FAE] =	sst s0  }
0x9: {  	[smem:$0x3FAF] =	sst s1  }
0xa: {  	[smem:$0x3FB0] =	sst s2  }
0xb: {  	[smem:$0x3FB1] =	sst s3  }
0xc: {  	[smem:$0x3FB2] =	sst s4  }
0xd: {  	[smem:$0x3FB3] =	sst s5  }
0xe: {  	[smem:$0x3FB4] =	sst s6  }
0xf: {  	[smem:$0x3FB5] =	sst s7  }
0x10: {  	[smem:$0x3FB6] =	sst s8  }
0x11: {  	[smem:$0x3FB7] =	sst s9;
	s0 =	simm.s32 @!p0 $0x0  }
0x12: {  	s1 =	sld [smem:$0x3F9D];
	s0 =	simm.s32 @p0 $0x1  }
0x13: {  	[smem:$0x3FB8] =	sst s0;
	s0 =	simm.s32 @!p1 $0x0  }
0x14: {  	s2 =	sld [smem:$0x3F9C];
	s0 =	simm.s32 @p1 $0x1  }
0x15: {  	[smem:$0x3FB9] =	sst s0;
	s0 =	simm.s32 @!p2 $0x0  }
0x16: {  	s3 =	sld [smem:$0x3FDB];
	s0 =	simm.s32 @p2 $0x1  }
0x17: {  	s4 =	simm.s32 $0x1BF5;
	[smem:$0x3FBB] =	sst s0  }
0x18: {  	s0 =	sld [smem:$0x3F9E];
	_ =	swait.ge [sflag:s4], $0x0  }
0x19: {  	s7 =	sld [smem:$0x3F9F]  }
0x1a: {  	s8 =	sadd.s32 $0xFFFFE003, lr  }
0x1b: {  	s9 =	sadd.s32 $0xFFFFFEF7, lr;
	s5 =	simm.s32 $0xFFFFFFFF;
	p2 =	slt.u32 s8, $0xFFFFF086  }
0x1c: {  	p1 =	slt.u32 s9, $0xF7A;
	s5 =	simm.s32 @!p2 $0x0  }
0x1d: {  	s5 =	simm.s32 @p1 $0x1;
	p0 =	seq.s32 s7, s2  }
0x1e: {  	s7 =	smul.u32 @!p0 $0xF7A, s2;
	p2 =	seq.s32 @!p0 s5, $0x0  }
0x1f: {  	s9 =	smul.u32 $0xF7A, s1;
	s8 =	simm.s32 @!p0 $0x1BF5;
	p2 =	por !p2, p0  }
0x20: {  	[sflag:s8] =	ssyncset.s32 @!p0 $0xFFFFF086;
	s6 =	sadd.s32 @!p0 s3, s7;
	s7 =	simm.s32 @!p0 $0x108  }
0x21: {  	s3 =	sadd.s32 s3, s9;
	s6 =	sadd.s32 @!p0 $0x88, s6;
	s7 =	simm.s32 @p2 $0x1082  }
0x22: {  	[simem:s7], [sflag:s8] =	dma.local @!p0 [hbm:s6], $0xF7A  }
0x23: {  	s9 =	sor.u32 $0xD0000000, s2;
	s6 =	simm.s32 $0x108;
	_ =	swait.ge @!p0 [sflag:s8], $0x0  }
0x24: {  	s3 =	sadd.s32 $0x88, s3;
	s6 =	simm.s32 @!p1 $0x1082;
	[sflag:s4] =	ssyncset.s32 $0xFFFFF086  }
0x25: {  	[simem:s6], [sflag:s4] =	dma.local [hbm:s3], $0xF7A  }
0x26: {  	[smem:$0x3F9F] =	sst s1;
	(tag) =	ssettag s2;
	_ =	strace s9  }
0x27: {  	s1 =	sld [smem:$0x3FAF]  }
0x28: {  	s2 =	sld [smem:$0x3FB0]  }
0x29: {  	s4 =	sld [smem:$0x3FB2]  }
0x2a: {  	p0 =	seq.s32 s5, $0x0;
	s5 =	sld [smem:$0x3FB3]  }
0x2b: {  	s6 =	sld [smem:$0x3FB4]  }
0x2c: {  	s7 =	sld [smem:$0x3FB5]  }
0x2d: {  	s3 =	simm.s32 $0x108;
	s8 =	sld [smem:$0x3FB6]  }
0x2e: {  	s3 =	simm.s32 @!p0 $0x1082;
	s9 =	sld [smem:$0x3FB7]  }
0x2f: {  	lr =	sadd.s32 s0, s3;
	s0 =	sld [smem:$0x3FAE]  }
0x30: {  	s3 =	sld [smem:$0x3FB1]  }
0x31: {  	[smem:$0x3FBA] =	sst s10  }
0x32: {  	s10 =	sld [smem:$0x3FB8];
	_ =	sdelay $0x3  }
0x33: {  	p0 =	seq.s32 s10, $0x1;
	s10 =	sld [smem:$0x3FBA];
	_ =	sdelay $0x3  }
0x34: {  	[smem:$0x3FBA] =	sst s10  }
0x35: {  	s10 =	sld [smem:$0x3FB9];
	_ =	sdelay $0x3  }
0x36: {  	p1 =	seq.s32 s10, $0x1;
	s10 =	sld [smem:$0x3FBA];
	_ =	sdelay $0x3  }
0x37: {  	[smem:$0x3FBA] =	sst s10  }
0x38: {  	s10 =	sld [smem:$0x3FBB]  }
0x39: {  	_ = 	snop;
	(pc) =	sbr.ind lr, $3  }
0x3a: {  	_ = 	snop  }
0x3b: {  	_ = 	snop  }
0x3c: {  	p2 =	seq.s32 s10, $0x1;
	s10 =	sld [smem:$0x3FBA]  }
0x3d: {  	_ =	shalt  }
0x3e: {  	_ =	shalt  }
0x3f: {  	_ =	shalt  }
0x40: {  	_ =	shalt  }
0x41: {  	_ =	shalt  }
0x42: {  	_ =	shalt  }
0x43: {  	_ =	shalt  }
0x44: {  	_ =	shalt  }
0x45: {  	_ =	shalt  }
0x46: {  	_ =	shalt  }
0x47: {  	_ =	shalt  }
0x48: {  	_ =	shalt  }
0x49: {  	_ =	shalt  }
0x4a: {  	_ =	shalt  }
0x4b: {  	_ =	shalt  }
0x4c: {  	_ =	shalt  }
0x4d: {  	_ =	shalt  }
0x4e: {  	_ =	shalt  }
0x4f: {  	_ =	shalt  }
0x50: {  	_ =	shalt  }
0x51: {  	_ =	shalt  }
0x52: {  	_ =	shalt  }
0x53: {  	_ =	shalt  }
0x54: {  	_ =	shalt  }
0x55: {  	_ =	shalt  }
0x56: {  	_ =	shalt  }
0x57: {  	_ =	shalt  }
0x58: {  	_ =	shalt  }
0x59: {  	_ =	shalt  }
0x5a: {  	_ =	shalt  }
0x5b: {  	_ =	shalt  }
0x5c: {  	_ =	shalt  }
0x5d: {  	_ =	shalt  }
0x5e: {  	_ =	shalt  }
0x5f: {  	_ =	shalt  }
0x60: {  	_ =	shalt  }
0x61: {  	_ =	shalt  }
0x62: {  	_ =	shalt  }
0x63: {  	_ =	shalt  }
0x64: {  	_ =	shalt  }
0x65: {  	_ =	shalt  }
0x66: {  	_ =	shalt  }
0x67: {  	_ =	shalt  }
0x68: {  	_ =	shalt  }
0x69: {  	_ =	shalt  }
0x6a: {  	_ =	shalt  }
0x6b: {  	_ =	shalt  }
0x6c: {  	_ =	shalt  }
0x6d: {  	_ =	shalt  }
0x6e: {  	_ =	shalt  }
0x6f: {  	_ =	shalt  }
0x70: {  	_ =	shalt  }
0x71: {  	_ =	shalt  }
0x72: {  	_ =	shalt  }
0x73: {  	_ =	shalt  }
0x74: {  	_ =	shalt  }
0x75: {  	_ =	shalt  }
0x76: {  	_ =	shalt  }
0x77: {  	_ =	shalt  }
0x78: {  	_ =	shalt  }
0x79: {  	_ =	shalt  }
0x7a: {  	_ =	shalt  }
0x7b: {  	_ =	shalt  }
0x7c: {  	_ =	shalt  }
0x7d: {  	_ =	shalt  }
0x7e: {  	_ =	shalt  }
0x7f: {  	_ =	shalt  }
0x80: {  	_ =	shalt  }
0x81: {  	_ =	shalt  }
0x82: {  	_ =	shalt  }
0x83: {  	_ =	shalt  }
0x84: {  	_ =	shalt  }
0x85: {  	_ =	shalt  }
0x86: {  	_ =	shalt  }
0x87: {  	_ =	shalt  }
.Lfunc_end0:
.L_simem_size_0:
called_computation.1_lowered:
.L_overlay_start_0:
0x88: {  	s2 =	sld [smem:$0x3FD9]  }
0x89: {  	s3 =	sld [smem:$0x3FFE];
	_ =	sdelay $0x1  }
0x8a: {  	s1 =	srdreg.scid  }
0x8b: {  	s0 =	sand.u32 $0x1, s1  }
0x8c: {  	s17 =	sshll.u32 s0, $0xA;
	s2 =	sadd.s32 s3, s2  }
0x8d: {  	s2 =	sadd.s32 s2, s17  }
0x8e: {  	[smem:$0x3FC6] =	sst s2  }
0x8f: {  	_ = 	snop  }
0x90: {  	s2 =	sld [smem:$0x3FD0];
	(tm) =	ssettm $0x1  }
0x91: {  	s18 =	sld [smem:$0x3FFB];
	_ =	sdelay $0x3  }
0x92: {  	_ =	strace s18  }
0x93: {  	s3 =	sld [smem:$0x3FFC];
	_ =	sdelay $0x3  }
0x94: {  	_ =	strace s3  }
0x95: {  	s3 =	sld [smem:$0x3FFD];
	_ =	sdelay $0x3  }
0x96: {  	_ =	strace s3  }
0x97: {  	_ =	strace $0x8FFFFFFF  }
0x98: {  	s19 =	sld [smem:$0x3FDB];
	_ =	sdelay $0x1  }
0x99: {  	s4 =	simm.s32 $_scs_section_size  }
0x9a: {  	s5 =	simm.s32 $_size__tile_overlayer_lowered;
	s6 =	simm.s32 $_tile_overlayer_lowered  }
0x9b: {  	s22 =	simm.s32 $0x1BFF;
	s21 =	sshll.u32 s6, $0x1;
	s3 =	sadd.s32 s4, s19  }
0x9c: {  	s7 =	simm.s32 $0x0;
	s20 =	sshll.u32 s5, $0x1;
	s5 =	sadd.s32 s21, s3  }
0x9d: {  	[timem:s7], [sflag:s22] =	dma.local [hbm:s5], s20  }
0x9e: {  	_ =	swait.ge [sflag:s22], s20  }
0x9f: {  	s4 =	ssub.s32 $0x0, s20;
	[sflag:s22] =	ssyncset.done $0x0  }
0xa0: {  	[sflag:s22] =	ssyncadd.s32 s4;
	_ =	sdelay $0x1  }
0xa1: {  	s23 =	simm.s32 $0x1B8B  }
0xa2: {  	_ =	swait.ge [sflag:s23], $0x1  }
0xa3: {  	[sflag:s23] =	ssyncset.done $0x0  }
0xa4: {  	s25 =	simm.s32 $0x1B8E;
	s24 =	sld [smem:$0x3FFE];
	[sflag:s23] =	ssyncadd.s32 $0xFFFFFFFF  }
0xa5: {  	s26 =	simm.s32 $execute0_lowered;
	[smem:$0x3FD2] =	sst s25  }
0xa6: {  	s5 =	sshll.u32 s26, $0x1;
	_ =	strace $0x80000046;
	[dreg:$0x1] =	wrdreg $0xFFFFFFFF  }
0xa7: {  	s28 =	simm.s32 $_size_execute0_lowered;
	s3 =	sadd.s32 s3, s5;
	[dreg:$0x0] =	wrdreg $0x0  }
0xa8: {  	s5 =	sshll.u32 s28, $0x1;
	[dreg:$0x2] =	wrdreg s3  }
0xa9: {  	[dreg:$0x3] =	wrdreg s5  }
0xaa: {  	[dreg:$0x4] =	wrdreg $0xC0  }
0xab: {  	_ =	task [dreg:s7], $0x5FFFF  }
0xac: {  	[dreg:$0x1] =	wrdreg $0xFFFFFFFF  }
0xad: {  	[dreg:$0x0] =	wrdreg $0x60  }
0xae: {  	[dreg:$0x2] =	wrdreg s2  }
0xaf: {  	[dreg:$0x3] =	wrdreg s24  }
0xb0: {  	[dreg:$0x4] =	wrdreg $0x9  }
0xb1: {  	_ =	task.clear_ibuf [dreg:s7], $0x5FFFF;
	_ =	strace $0x90000046  }
0xb2: {  	s29 =	simm.s32 $0x9;
	_ =	strace $0x80000048  }
0xb3: {  	_ =	swait.ge [sflag:s29], $0x1  }
0xb4: {  	[sflag:s29] =	ssyncadd.s32 $0xFFFFFFFF  }
0xb5: {  	_ =	strace $0x90000048  }
0xb6: {  	_ =	sfence  }
0xb7: {  	s30 =	sld [smem:$0x0];
	_ =	sdelay $0x2  }
0xb8: {  	s31 =	sshll.u32 s1, $0xD;
	s1 =	sshrl.u32 s1, $0x2  }
0xb9: {  	s3 =	sand.u32 $0x4000, s31;
	s1 =	sadd.s32 s1, s30  }
0xba: {  	s0 =	sor.u32 s3, s0;
	s1 =	sshll.u32 s1, $0x11  }
0xbb: {  	s0 =	sor.u32 s1, s0  }
0xbc: {  	s0 =	sadd.s32 $0x8F2B, s0  }
0xbd: {  	[sflag:s0] =	ssyncadd.remote.s32 $0x1  }
0xbe: {  	_ =	sfence.sel $0xFFFF  }
0xbf: {  	[dreg:$0x0] =	wrdreg $0xFFFFFFFF;
	(pc) =	sbr.abs _section_cstart, $3  }
0xc0: {  	[dreg:$0x1] =	wrdreg $0xFFFFFFFF  }
0xc1: {  	_ =	task.clear_ibuf [dreg:s7], $0x2FFFF;
	_ =	strace $0x9FFFFFFF  }
0xc2: {  	(tm) =	ssettm $0x7FFFFFFF  }
0xc3: {  	_ =	shalt  }
tec
execute0_lowered:
.L_overlay_start_1:
0x0: {  	(tag) =	ssettag $0x1  }
0x1: {  	s6 =	rddreg [dreg:$0x0];
	s1 =	srdreg.scid  }
0x2: {  	s0 =	stileid.u32;
	s5 =	rddreg [dreg:$0x1]  }
0x3: {  	s2 =	simm.s32 $0x0;
	s10 =	simm.s32 $0x6400;
	s11 =	simm.s32 $0xC800  }
0x4: {  	s12 =	simm.s32 $0x1;
	s13 =	simm.s32 $0x12C00;
	s14 =	simm.s32 $0x3  }
0x5: {  	s15 =	simm.s32 $0x2;
	s16 =	simm.s32 $0x19000;
	s17 =	simm.s32 $0x4  }
0x6: {  	s4 =	sand.u32 $0x1, s1;
	s3 =	sshll.u32 s0, $0x1;
	s1 =	rddreg [dreg:$0x2]  }
0x7: {  	s18 =	simm.s32 $0x0;
	[smem:$0x7FF] =	sst s2;
	s3 =	sor.u32 s4, s3  }
0x8: {  	_ =	strace $0x80000047;
	s7 =	ssub.s32 $0x2, s4;
	s3 =	smul.u32 $0x6400, s3  }
0x9: {  	s4 =	sadd.s32 $0xF42E00, s5;
	s5 =	sadd.s32 $0xA00, s5;
	s8 =	sshrl.u32 s7, $0x1  }
0xa: {  	s7 =	ssub.s32 s7, s8;
	s8 =	simm.s32 $0x5;
	s9 =	sshrl.u32 s3, $0x3  }
0xb: {  	s7 =	smax.u32 s7, $0x1;
	s6 =	sadd.s32 s6, s9;
	s9 =	simm.s32 $0xC8  }
.LBB2_1:
0xc: {  	[tilespmem:s2], [sflag:$0x5] =	stream.linear.gather [hbm4b:s6+s2], $0x6400, $0x38;
	[tilespmem:$0x1F400] =	vst v63  }
0xd: {  	_ =	swait.ge [sflag:s8], $0x6400  }
0xe: {  	[sflag:s8] =	ssyncset.done $0x0  }
0xf: {  	s19 =	simm.s32 $0x0;
	[sflag:s8] =	ssyncadd.s32 $0xFFFF9C00  }
0x10: {  	[tilespmem:s10], [sflag:$0x1] =	stream.indirect.gather [hbm4b:s4+s9], $0x80, s2, s9, $0xb8;
	[tilespmem:$0x1F400] =	vst v63  }
.LBB2_2:
0x11: {  	s20 =	sshll.u32 s19, $0x1;
	p0 =	seq.s32 s19, $0x0  }
0x12: {  	s21 =	simm.s32 @!p0 $0x4;
	s20 =	sor.u32 $0x1, s20  }
0x13: {  	_ =	swait.ge @!p0 [sflag:s21], $0x6400;
	s22 =	smul.u32 $0x320, s20  }
0x14: {  	[sflag:s21] =	ssyncset.done @!p0 $0x0  }
0x15: {  	[sflag:s21] =	ssyncadd.s32 @!p0 $0xFFFF9C00;
	s31 =	sshra.s32 s22, $0x2  }
0x16: {  	[tilespmem:s11], [sflag:$0x2] =	stream.indirect.gather [hbm4b:s4+s9], $0x80, s31, s9, $0xb8;
	[tilespmem:$0x1F400] =	vst v63  }
0x17: {  	_ =	swait.ge [sflag:s12], $0x6400  }
0x18: {  	[sflag:s12] =	ssyncset.done $0x0  }
0x19: {  	s21 =	simm.s32 $0x0;
	[sflag:s12] =	ssyncadd.s32 $0xFFFF9C00  }
0x1a: {  	v0 =	vld [tilespmem:s21+$0x67B0]  }
0x1b: {  	v1 =	vld [tilespmem:s21+$0x6400]  }
0x1c: {  	v2 =	vld [tilespmem:s21+$0x6410]  }
0x1d: {  	v3 =	vld [tilespmem:s21+$0x6420]  }
0x1e: {  	v4 =	vld [tilespmem:s21+$0x6430]  }
0x1f: {  	v5 =	vld [tilespmem:s21+$0x6480];
	[tilespmem:s21+$0x12FB0] =	vst v0  }
0x20: {  	[tilespmem:s21+$0x12C00] =	vst v1;
	v0 =	vld [tilespmem:s21+$0x6490]  }
0x21: {  	[tilespmem:s21+$0x12C10] =	vst v2;
	v1 =	vld [tilespmem:s21+$0x64A0]  }
0x22: {  	[tilespmem:s21+$0x12C20] =	vst v3;
	v2 =	vld [tilespmem:s21+$0x64B0]  }
0x23: {  	[tilespmem:s21+$0x12C30] =	vst v4;
	v3 =	vld [tilespmem:s21+$0x6500]  }
0x24: {  	[tilespmem:s21+$0x12C80] =	vst v5;
	v4 =	vld [tilespmem:s21+$0x6510]  }
0x25: {  	v5 =	vld [tilespmem:s21+$0x6710];
	[tilespmem:s21+$0x12C90] =	vst v0  }
0x26: {  	v0 =	vld [tilespmem:s21+$0x6520];
	[tilespmem:s21+$0x12CA0] =	vst v1  }
0x27: {  	v1 =	vld [tilespmem:s21+$0x6530];
	[tilespmem:s21+$0x12CB0] =	vst v2  }
0x28: {  	v2 =	vld [tilespmem:s21+$0x6580];
	[tilespmem:s21+$0x12D00] =	vst v3  }
0x29: {  	v3 =	vld [tilespmem:s21+$0x6590];
	[tilespmem:s21+$0x12D10] =	vst v4  }
0x2a: {  	v4 =	vld [tilespmem:s21+$0x65A0];
	[tilespmem:s21+$0x12F10] =	vst v5  }
0x2b: {  	[tilespmem:s21+$0x12D20] =	vst v0;
	v0 =	vld [tilespmem:s21+$0x65B0]  }
0x2c: {  	[tilespmem:s21+$0x12D30] =	vst v1;
	v1 =	vld [tilespmem:s21+$0x6600]  }
0x2d: {  	[tilespmem:s21+$0x12D80] =	vst v2;
	v2 =	vld [tilespmem:s21+$0x6610]  }
0x2e: {  	[tilespmem:s21+$0x12D90] =	vst v3;
	v3 =	vld [tilespmem:s21+$0x6620]  }
0x2f: {  	[tilespmem:s21+$0x12DA0] =	vst v4;
	v4 =	vld [tilespmem:s21+$0x6630]  }
0x30: {  	[tilespmem:s21+$0x12DB0] =	vst v0;
	v0 =	vld [tilespmem:s21+$0x6680]  }
0x31: {  	[tilespmem:s21+$0x12E00] =	vst v1;
	v1 =	vld [tilespmem:s21+$0x6690]  }
0x32: {  	[tilespmem:s21+$0x12E10] =	vst v2;
	v2 =	vld [tilespmem:s21+$0x66A0]  }
0x33: {  	[tilespmem:s21+$0x12E20] =	vst v3;
	v3 =	vld [tilespmem:s21+$0x66B0]  }
0x34: {  	[tilespmem:s21+$0x12E30] =	vst v4;
	v4 =	vld [tilespmem:s21+$0x6700]  }
0x35: {  	[tilespmem:s21+$0x12E80] =	vst v0;
	v0 =	vld [tilespmem:s21+$0x6720]  }
0x36: {  	[tilespmem:s21+$0x12E90] =	vst v1;
	v1 =	vld [tilespmem:s21+$0x6730]  }
0x37: {  	[tilespmem:s21+$0x12EA0] =	vst v2;
	v2 =	vld [tilespmem:s21+$0x6780]  }
0x38: {  	[tilespmem:s21+$0x12EB0] =	vst v3;
	v3 =	vld [tilespmem:s21+$0x6790]  }
0x39: {  	s23 =	simm.s32 $0x400;
	s22 =	simm.s32 $0x2000;
	[tilespmem:s21+$0x12F00] =	vst v4;
	v4 =	vld [tilespmem:s21+$0x67A0]  }
.LBB2_3:
0x3a: {  	p0 =	sne.s32 s22, $0x18000;
	v5 =	vld [tilespmem:s23+$0x67B0];
	[tilespmem:s21+$0x12F20] =	vst v0  }
0x3b: {  	v0 =	vld [tilespmem:s23+$0x6400];
	[tilespmem:s21+$0x12F30] =	vst v1  }
0x3c: {  	v1 =	vld [tilespmem:s23+$0x6410];
	[tilespmem:s21+$0x12F80] =	vst v2  }
0x3d: {  	v2 =	vld [tilespmem:s23+$0x6420];
	[tilespmem:s21+$0x12F90] =	vst v3  }
0x3e: {  	v3 =	vld [tilespmem:s23+$0x6430];
	[tilespmem:s21+$0x12FA0] =	vst v4;
	s21 =	smov.u32 s23  }
0x3f: {  	v4 =	vld [tilespmem:s21+$0x6480];
	[tilespmem:s21+$0x12FB0] =	vst v5  }
0x40: {  	[tilespmem:s21+$0x12C00] =	vst v0;
	v0 =	vld [tilespmem:s21+$0x6490]  }
0x41: {  	[tilespmem:s21+$0x12C10] =	vst v1;
	v1 =	vld [tilespmem:s21+$0x64A0]  }
0x42: {  	[tilespmem:s21+$0x12C20] =	vst v2;
	v2 =	vld [tilespmem:s21+$0x64B0]  }
0x43: {  	[tilespmem:s21+$0x12C30] =	vst v3;
	v3 =	vld [tilespmem:s21+$0x6500]  }
0x44: {  	[tilespmem:s21+$0x12C80] =	vst v4;
	v4 =	vld [tilespmem:s21+$0x6510]  }
0x45: {  	[tilespmem:s21+$0x12C90] =	vst v0;
	v0 =	vld [tilespmem:s21+$0x6520]  }
0x46: {  	[tilespmem:s21+$0x12CA0] =	vst v1;
	v1 =	vld [tilespmem:s21+$0x6530]  }
0x47: {  	[tilespmem:s21+$0x12CB0] =	vst v2;
	v2 =	vld [tilespmem:s21+$0x6580]  }
0x48: {  	[tilespmem:s21+$0x12D00] =	vst v3;
	v3 =	vld [tilespmem:s21+$0x6590]  }
0x49: {  	[tilespmem:s21+$0x12D10] =	vst v4;
	v4 =	vld [tilespmem:s21+$0x65A0]  }
0x4a: {  	[tilespmem:s21+$0x12D20] =	vst v0;
	v0 =	vld [tilespmem:s21+$0x65B0]  }
0x4b: {  	[tilespmem:s21+$0x12D30] =	vst v1;
	v1 =	vld [tilespmem:s21+$0x6600]  }
0x4c: {  	[tilespmem:s21+$0x12D80] =	vst v2;
	v2 =	vld [tilespmem:s21+$0x6610]  }
0x4d: {  	[tilespmem:s21+$0x12D90] =	vst v3;
	v3 =	vld [tilespmem:s21+$0x6620]  }
0x4e: {  	[tilespmem:s21+$0x12DA0] =	vst v4;
	v4 =	vld [tilespmem:s21+$0x6630]  }
0x4f: {  	[tilespmem:s21+$0x12DB0] =	vst v0;
	v0 =	vld [tilespmem:s21+$0x6680]  }
0x50: {  	[tilespmem:s21+$0x12E00] =	vst v1;
	v1 =	vld [tilespmem:s21+$0x6690]  }
0x51: {  	[tilespmem:s21+$0x12E10] =	vst v2;
	v2 =	vld [tilespmem:s21+$0x66A0]  }
0x52: {  	[tilespmem:s21+$0x12E20] =	vst v3;
	v3 =	vld [tilespmem:s21+$0x66B0]  }
0x53: {  	[tilespmem:s21+$0x12E30] =	vst v4;
	v4 =	vld [tilespmem:s21+$0x6700]  }
0x54: {  	[tilespmem:s21+$0x12E80] =	vst v0;
	v5 =	vld [tilespmem:s21+$0x6710]  }
.Ltmp0:
0x55: {  	[tilespmem:s21+$0x12E90] =	vst v1;
	v0 =	vld [tilespmem:s21+$0x6720];
	(pc) =	sbr.rel @p0 .LBB2_3-.Ltmp0, $4  }
0x56: {  	[tilespmem:s21+$0x12EA0] =	vst v2;
	v1 =	vld [tilespmem:s21+$0x6730]  }
0x57: {  	[tilespmem:s21+$0x12EB0] =	vst v3;
	v2 =	vld [tilespmem:s21+$0x6780]  }
0x58: {  	[tilespmem:s21+$0x12F00] =	vst v4;
	v3 =	vld [tilespmem:s21+$0x6790]  }
0x59: {  	s23 =	sshra.s32 s22, $0x2;
	s22 =	sadd.s32 $0x1000, s22;
	[tilespmem:s21+$0x12F10] =	vst v5;
	v4 =	vld [tilespmem:s21+$0x67A0]  }
0x5a: {  	v5 =	vld [tilespmem:s23+$0x67B0];
	[tilespmem:s21+$0x12F20] =	vst v0  }
0x5b: {  	v0 =	vld [tilespmem:s23+$0x6400];
	[tilespmem:s21+$0x12F30] =	vst v1  }
0x5c: {  	v1 =	vld [tilespmem:s23+$0x6410];
	[tilespmem:s21+$0x12F80] =	vst v2  }
0x5d: {  	v2 =	vld [tilespmem:s23+$0x6420];
	[tilespmem:s21+$0x12F90] =	vst v3  }
0x5e: {  	v3 =	vld [tilespmem:s23+$0x6430];
	[tilespmem:s21+$0x12FA0] =	vst v4  }
0x5f: {  	v4 =	vld [tilespmem:s23+$0x6480];
	[tilespmem:s23+$0x12FB0] =	vst v5  }
0x60: {  	[tilespmem:s23+$0x12C00] =	vst v0;
	v0 =	vld [tilespmem:s23+$0x6490]  }
0x61: {  	[tilespmem:s23+$0x12C10] =	vst v1;
	v1 =	vld [tilespmem:s23+$0x64A0]  }
0x62: {  	[tilespmem:s23+$0x12C20] =	vst v2;
	v2 =	vld [tilespmem:s23+$0x64B0]  }
0x63: {  	[tilespmem:s23+$0x12C30] =	vst v3;
	v3 =	vld [tilespmem:s23+$0x6500]  }
0x64: {  	[tilespmem:s23+$0x12C80] =	vst v4;
	v4 =	vld [tilespmem:s23+$0x6510]  }
0x65: {  	[tilespmem:s23+$0x12C90] =	vst v0;
	v0 =	vld [tilespmem:s23+$0x6520]  }
0x66: {  	[tilespmem:s23+$0x12CA0] =	vst v1;
	v1 =	vld [tilespmem:s23+$0x6530]  }
0x67: {  	[tilespmem:s23+$0x12CB0] =	vst v2;
	v2 =	vld [tilespmem:s23+$0x6580]  }
0x68: {  	[tilespmem:s23+$0x12D00] =	vst v3;
	v3 =	vld [tilespmem:s23+$0x6590]  }
0x69: {  	[tilespmem:s23+$0x12D10] =	vst v4;
	v4 =	vld [tilespmem:s23+$0x65A0]  }
0x6a: {  	[tilespmem:s23+$0x12D20] =	vst v0;
	v0 =	vld [tilespmem:s23+$0x65B0]  }
0x6b: {  	[tilespmem:s23+$0x12D30] =	vst v1;
	v1 =	vld [tilespmem:s23+$0x6600]  }
0x6c: {  	[tilespmem:s23+$0x12D80] =	vst v2;
	v2 =	vld [tilespmem:s23+$0x6610]  }
0x6d: {  	[tilespmem:s23+$0x12D90] =	vst v3;
	v3 =	vld [tilespmem:s23+$0x6620]  }
0x6e: {  	[tilespmem:s23+$0x12DA0] =	vst v4;
	v4 =	vld [tilespmem:s23+$0x6630]  }
0x6f: {  	[tilespmem:s23+$0x12DB0] =	vst v0;
	v0 =	vld [tilespmem:s23+$0x6680]  }
0x70: {  	[tilespmem:s23+$0x12E00] =	vst v1;
	v1 =	vld [tilespmem:s23+$0x6690]  }
0x71: {  	[tilespmem:s23+$0x12E10] =	vst v2;
	v2 =	vld [tilespmem:s23+$0x66A0]  }
0x72: {  	[tilespmem:s23+$0x12E20] =	vst v3;
	v3 =	vld [tilespmem:s23+$0x66B0]  }
0x73: {  	[tilespmem:s23+$0x12E30] =	vst v4;
	v4 =	vld [tilespmem:s23+$0x6700]  }
0x74: {  	[tilespmem:s23+$0x12E80] =	vst v0;
	v0 =	vld [tilespmem:s23+$0x6710]  }
0x75: {  	[tilespmem:s23+$0x12E90] =	vst v1;
	v1 =	vld [tilespmem:s23+$0x6720]  }
0x76: {  	[tilespmem:s23+$0x12EA0] =	vst v2;
	v2 =	vld [tilespmem:s23+$0x6730]  }
0x77: {  	[tilespmem:s23+$0x12EB0] =	vst v3;
	v3 =	vld [tilespmem:s23+$0x6780]  }
0x78: {  	[tilespmem:s23+$0x12F00] =	vst v4;
	v4 =	vld [tilespmem:s23+$0x6790]  }
0x79: {  	[tilespmem:s23+$0x12F10] =	vst v0;
	v0 =	vld [tilespmem:s23+$0x67A0]  }
0x7a: {  	s31 =	smul.u32 $0x190, s19;
	[tilespmem:s23+$0x12F20] =	vst v1  }
0x7b: {  	[tilespmem:s23+$0x12F30] =	vst v2  }
0x7c: {  	s21 =	sadd.s32 s3, s31;
	[tilespmem:s23+$0x12F80] =	vst v3  }
0x7d: {  	s21 =	sshll.u32 s21, $0x4;
	[tilespmem:s23+$0x12F90] =	vst v4  }
0x7e: {  	p0 =	seq.s32 s19, $0x3F;
	s21 =	sadd.s32 s5, s21;
	[tilespmem:s23+$0x12FA0] =	vst v0  }
0x7f: {  	[hbm4b:s21+s2] =	stream.linear.scatter [tilespmem:s13], [sflag:$0x3], $0x6400, $0x38;
	[tilespmem:$0x1F400] =	vst v63  }
0x80: {  	s21 =	smul.u32 @!p0 $0x640, s19  }
0x81: {  	_ =	swait.ge [sflag:s14], $0x6400  }
0x82: {  	s22 =	simm.s32 @!p0 $0xC8;
	[sflag:s14] =	ssyncset.done $0x0;
	s21 =	sshra.s32 @!p0 s21, $0x2  }
0x83: {  	s23 =	simm.s32 @!p0 $0x6400;
	[sflag:s14] =	ssyncadd.s32 $0xFFFF9C00;
	s21 =	sadd.s32 @!p0 $0x190, s21  }
0x84: {  	[tilespmem:s23], [sflag:$0x1] =	stream.indirect.gather @!p0 [hbm4b:s4+s22], $0x80, s21, s22, $0xb8;
	[tilespmem:$0x1F400] =	vst v63  }
0x85: {  	_ =	swait.ge [sflag:s15], $0x6400  }
0x86: {  	[sflag:s15] =	ssyncset.done $0x0  }
0x87: {  	s21 =	simm.s32 $0x0;
	[sflag:s15] =	ssyncadd.s32 $0xFFFF9C00  }
0x88: {  	v0 =	vld [tilespmem:s21+$0xCBB0]  }
0x89: {  	v1 =	vld [tilespmem:s21+$0xC800]  }
0x8a: {  	v2 =	vld [tilespmem:s21+$0xC810]  }
0x8b: {  	v3 =	vld [tilespmem:s21+$0xC820]  }
0x8c: {  	v4 =	vld [tilespmem:s21+$0xC830]  }
0x8d: {  	v5 =	vld [tilespmem:s21+$0xC880];
	[tilespmem:s21+$0x193B0] =	vst v0  }
0x8e: {  	[tilespmem:s21+$0x19000] =	vst v1;
	v0 =	vld [tilespmem:s21+$0xC890]  }
0x8f: {  	[tilespmem:s21+$0x19010] =	vst v2;
	v1 =	vld [tilespmem:s21+$0xC8A0]  }
0x90: {  	[tilespmem:s21+$0x19020] =	vst v3;
	v2 =	vld [tilespmem:s21+$0xC8B0]  }
0x91: {  	[tilespmem:s21+$0x19030] =	vst v4;
	v3 =	vld [tilespmem:s21+$0xC900]  }
0x92: {  	[tilespmem:s21+$0x19080] =	vst v5;
	v4 =	vld [tilespmem:s21+$0xC910]  }
0x93: {  	v5 =	vld [tilespmem:s21+$0xCB10];
	[tilespmem:s21+$0x19090] =	vst v0  }
0x94: {  	v0 =	vld [tilespmem:s21+$0xC920];
	[tilespmem:s21+$0x190A0] =	vst v1  }
0x95: {  	v1 =	vld [tilespmem:s21+$0xC930];
	[tilespmem:s21+$0x190B0] =	vst v2  }
0x96: {  	v2 =	vld [tilespmem:s21+$0xC980];
	[tilespmem:s21+$0x19100] =	vst v3  }
0x97: {  	v3 =	vld [tilespmem:s21+$0xC990];
	[tilespmem:s21+$0x19110] =	vst v4  }
0x98: {  	v4 =	vld [tilespmem:s21+$0xC9A0];
	[tilespmem:s21+$0x19310] =	vst v5  }
0x99: {  	[tilespmem:s21+$0x19120] =	vst v0;
	v0 =	vld [tilespmem:s21+$0xC9B0]  }
0x9a: {  	[tilespmem:s21+$0x19130] =	vst v1;
	v1 =	vld [tilespmem:s21+$0xCA00]  }
0x9b: {  	[tilespmem:s21+$0x19180] =	vst v2;
	v2 =	vld [tilespmem:s21+$0xCA10]  }
0x9c: {  	[tilespmem:s21+$0x19190] =	vst v3;
	v3 =	vld [tilespmem:s21+$0xCA20]  }
0x9d: {  	[tilespmem:s21+$0x191A0] =	vst v4;
	v4 =	vld [tilespmem:s21+$0xCA30]  }
0x9e: {  	[tilespmem:s21+$0x191B0] =	vst v0;
	v0 =	vld [tilespmem:s21+$0xCA80]  }
0x9f: {  	[tilespmem:s21+$0x19200] =	vst v1;
	v1 =	vld [tilespmem:s21+$0xCA90]  }
0xa0: {  	[tilespmem:s21+$0x19210] =	vst v2;
	v2 =	vld [tilespmem:s21+$0xCAA0]  }
0xa1: {  	[tilespmem:s21+$0x19220] =	vst v3;
	v3 =	vld [tilespmem:s21+$0xCAB0]  }
0xa2: {  	[tilespmem:s21+$0x19230] =	vst v4;
	v4 =	vld [tilespmem:s21+$0xCB00]  }
0xa3: {  	[tilespmem:s21+$0x19280] =	vst v0;
	v0 =	vld [tilespmem:s21+$0xCB20]  }
0xa4: {  	[tilespmem:s21+$0x19290] =	vst v1;
	v1 =	vld [tilespmem:s21+$0xCB30]  }
0xa5: {  	[tilespmem:s21+$0x192A0] =	vst v2;
	v2 =	vld [tilespmem:s21+$0xCB80]  }
0xa6: {  	[tilespmem:s21+$0x192B0] =	vst v3;
	v3 =	vld [tilespmem:s21+$0xCB90]  }
0xa7: {  	s23 =	simm.s32 $0x400;
	s22 =	simm.s32 $0x2000;
	[tilespmem:s21+$0x19300] =	vst v4;
	v4 =	vld [tilespmem:s21+$0xCBA0]  }
.LBB2_5:
0xa8: {  	p0 =	sne.s32 s22, $0x18000;
	v5 =	vld [tilespmem:s23+$0xCBB0];
	[tilespmem:s21+$0x19320] =	vst v0  }
0xa9: {  	v0 =	vld [tilespmem:s23+$0xC800];
	[tilespmem:s21+$0x19330] =	vst v1  }
0xaa: {  	v1 =	vld [tilespmem:s23+$0xC810];
	[tilespmem:s21+$0x19380] =	vst v2  }
0xab: {  	v2 =	vld [tilespmem:s23+$0xC820];
	[tilespmem:s21+$0x19390] =	vst v3  }
0xac: {  	v3 =	vld [tilespmem:s23+$0xC830];
	[tilespmem:s21+$0x193A0] =	vst v4;
	s21 =	smov.u32 s23  }
0xad: {  	v4 =	vld [tilespmem:s21+$0xC880];
	[tilespmem:s21+$0x193B0] =	vst v5  }
0xae: {  	[tilespmem:s21+$0x19000] =	vst v0;
	v0 =	vld [tilespmem:s21+$0xC890]  }
0xaf: {  	[tilespmem:s21+$0x19010] =	vst v1;
	v1 =	vld [tilespmem:s21+$0xC8A0]  }
0xb0: {  	[tilespmem:s21+$0x19020] =	vst v2;
	v2 =	vld [tilespmem:s21+$0xC8B0]  }
0xb1: {  	[tilespmem:s21+$0x19030] =	vst v3;
	v3 =	vld [tilespmem:s21+$0xC900]  }
0xb2: {  	[tilespmem:s21+$0x19080] =	vst v4;
	v4 =	vld [tilespmem:s21+$0xC910]  }
0xb3: {  	[tilespmem:s21+$0x19090] =	vst v0;
	v0 =	vld [tilespmem:s21+$0xC920]  }
0xb4: {  	[tilespmem:s21+$0x190A0] =	vst v1;
	v1 =	vld [tilespmem:s21+$0xC930]  }
0xb5: {  	[tilespmem:s21+$0x190B0] =	vst v2;
	v2 =	vld [tilespmem:s21+$0xC980]  }
0xb6: {  	[tilespmem:s21+$0x19100] =	vst v3;
	v3 =	vld [tilespmem:s21+$0xC990]  }
0xb7: {  	[tilespmem:s21+$0x19110] =	vst v4;
	v4 =	vld [tilespmem:s21+$0xC9A0]  }
0xb8: {  	[tilespmem:s21+$0x19120] =	vst v0;
	v0 =	vld [tilespmem:s21+$0xC9B0]  }
0xb9: {  	[tilespmem:s21+$0x19130] =	vst v1;
	v1 =	vld [tilespmem:s21+$0xCA00]  }
0xba: {  	[tilespmem:s21+$0x19180] =	vst v2;
	v2 =	vld [tilespmem:s21+$0xCA10]  }
0xbb: {  	[tilespmem:s21+$0x19190] =	vst v3;
	v3 =	vld [tilespmem:s21+$0xCA20]  }
0xbc: {  	[tilespmem:s21+$0x191A0] =	vst v4;
	v4 =	vld [tilespmem:s21+$0xCA30]  }
0xbd: {  	[tilespmem:s21+$0x191B0] =	vst v0;
	v0 =	vld [tilespmem:s21+$0xCA80]  }
0xbe: {  	[tilespmem:s21+$0x19200] =	vst v1;
	v1 =	vld [tilespmem:s21+$0xCA90]  }
0xbf: {  	[tilespmem:s21+$0x19210] =	vst v2;
	v2 =	vld [tilespmem:s21+$0xCAA0]  }
0xc0: {  	[tilespmem:s21+$0x19220] =	vst v3;
	v3 =	vld [tilespmem:s21+$0xCAB0]  }
0xc1: {  	[tilespmem:s21+$0x19230] =	vst v4;
	v4 =	vld [tilespmem:s21+$0xCB00]  }
0xc2: {  	[tilespmem:s21+$0x19280] =	vst v0;
	v5 =	vld [tilespmem:s21+$0xCB10]  }
.Ltmp1:
0xc3: {  	[tilespmem:s21+$0x19290] =	vst v1;
	v0 =	vld [tilespmem:s21+$0xCB20];
	(pc) =	sbr.rel @p0 .LBB2_5-.Ltmp1, $4  }
0xc4: {  	[tilespmem:s21+$0x192A0] =	vst v2;
	v1 =	vld [tilespmem:s21+$0xCB30]  }
0xc5: {  	[tilespmem:s21+$0x192B0] =	vst v3;
	v2 =	vld [tilespmem:s21+$0xCB80]  }
0xc6: {  	[tilespmem:s21+$0x19300] =	vst v4;
	v3 =	vld [tilespmem:s21+$0xCB90]  }
0xc7: {  	s23 =	sshra.s32 s22, $0x2;
	s22 =	sadd.s32 $0x1000, s22;
	[tilespmem:s21+$0x19310] =	vst v5;
	v4 =	vld [tilespmem:s21+$0xCBA0]  }
0xc8: {  	v5 =	vld [tilespmem:s23+$0xCBB0];
	[tilespmem:s21+$0x19320] =	vst v0  }
0xc9: {  	v0 =	vld [tilespmem:s23+$0xC800];
	[tilespmem:s21+$0x19330] =	vst v1  }
0xca: {  	v1 =	vld [tilespmem:s23+$0xC810];
	[tilespmem:s21+$0x19380] =	vst v2  }
0xcb: {  	v2 =	vld [tilespmem:s23+$0xC820];
	[tilespmem:s21+$0x19390] =	vst v3  }
0xcc: {  	v3 =	vld [tilespmem:s23+$0xC830];
	[tilespmem:s21+$0x193A0] =	vst v4  }
0xcd: {  	v4 =	vld [tilespmem:s23+$0xC880];
	[tilespmem:s23+$0x193B0] =	vst v5  }
0xce: {  	v38 =	vld [tilespmem:s23+$0xC890];
	[tilespmem:s23+$0x19000] =	vst v0  }
0xcf: {  	v39 =	vld [tilespmem:s23+$0xC8A0];
	[tilespmem:s23+$0x19010] =	vst v1  }
0xd0: {  	v40 =	vld [tilespmem:s23+$0xC8B0];
	[tilespmem:s23+$0x19020] =	vst v2  }
0xd1: {  	v41 =	vld [tilespmem:s23+$0xC900];
	[tilespmem:s23+$0x19030] =	vst v3  }
0xd2: {  	v42 =	vld [tilespmem:s23+$0xC910];
	[tilespmem:s23+$0x19080] =	vst v4  }
0xd3: {  	v43 =	vld [tilespmem:s23+$0xC920];
	[tilespmem:s23+$0x19090] =	vst v38  }
0xd4: {  	v44 =	vld [tilespmem:s23+$0xC930];
	[tilespmem:s23+$0x190A0] =	vst v39  }
0xd5: {  	v45 =	vld [tilespmem:s23+$0xC980];
	[tilespmem:s23+$0x190B0] =	vst v40  }
0xd6: {  	v46 =	vld [tilespmem:s23+$0xC990];
	[tilespmem:s23+$0x19100] =	vst v41  }
0xd7: {  	v47 =	vld [tilespmem:s23+$0xC9A0];
	[tilespmem:s23+$0x19110] =	vst v42  }
0xd8: {  	v48 =	vld [tilespmem:s23+$0xC9B0];
	[tilespmem:s23+$0x19120] =	vst v43  }
0xd9: {  	v49 =	vld [tilespmem:s23+$0xCA00];
	[tilespmem:s23+$0x19130] =	vst v44  }
0xda: {  	v50 =	vld [tilespmem:s23+$0xCA10];
	[tilespmem:s23+$0x19180] =	vst v45  }
0xdb: {  	v51 =	vld [tilespmem:s23+$0xCA20];
	[tilespmem:s23+$0x19190] =	vst v46  }
0xdc: {  	v52 =	vld [tilespmem:s23+$0xCA30];
	[tilespmem:s23+$0x191A0] =	vst v47  }
0xdd: {  	v53 =	vld [tilespmem:s23+$0xCA80];
	[tilespmem:s23+$0x191B0] =	vst v48  }
0xde: {  	v54 =	vld [tilespmem:s23+$0xCA90];
	[tilespmem:s23+$0x19200] =	vst v49  }
0xdf: {  	v55 =	vld [tilespmem:s23+$0xCAA0];
	[tilespmem:s23+$0x19210] =	vst v50  }
0xe0: {  	v56 =	vld [tilespmem:s23+$0xCAB0];
	[tilespmem:s23+$0x19220] =	vst v51  }
0xe1: {  	v57 =	vld [tilespmem:s23+$0xCB00];
	[tilespmem:s23+$0x19230] =	vst v52  }
0xe2: {  	v58 =	vld [tilespmem:s23+$0xCB10];
	[tilespmem:s23+$0x19280] =	vst v53  }
0xe3: {  	v59 =	vld [tilespmem:s23+$0xCB20];
	[tilespmem:s23+$0x19290] =	vst v54  }
0xe4: {  	v60 =	vld [tilespmem:s23+$0xCB30];
	[tilespmem:s23+$0x192A0] =	vst v55  }
0xe5: {  	v61 =	vld [tilespmem:s23+$0xCB80];
	[tilespmem:s23+$0x192B0] =	vst v56  }
0xe6: {  	v62 =	vld [tilespmem:s23+$0xCB90];
	[tilespmem:s23+$0x19300] =	vst v57  }
0xe7: {  	s20 =	smul.u32 $0xC8, s20;
	s19 =	sadd.s32 $0x1, s19;
	v63 =	vld [tilespmem:s23+$0xCBA0];
	[tilespmem:s23+$0x19310] =	vst v58  }
0xe8: {  	p0 =	sne.s32 s19, $0x40;
	[tilespmem:s23+$0x19320] =	vst v59  }
.Ltmp2:
0xe9: {  	s20 =	sadd.s32 s3, s20;
	[tilespmem:s23+$0x19330] =	vst v60;
	(pc) =	sbr.rel @p0 .LBB2_2-.Ltmp2, $4  }
0xea: {  	s20 =	sshll.u32 s20, $0x4;
	[tilespmem:s23+$0x19380] =	vst v61  }
0xeb: {  	s20 =	sand.u32 $0x1FFFFF80, s20;
	[tilespmem:s23+$0x19390] =	vst v62  }
0xec: {  	s20 =	sadd.s32 s5, s20;
	[tilespmem:s23+$0x193A0] =	vst v63  }
0xed: {  	[hbm4b:s20+s2] =	stream.linear.scatter [tilespmem:s16], [sflag:$0x4], $0x6400, $0x38;
	[tilespmem:$0x1F400] =	vst v63  }
0xee: {  	s18 =	sadd.s32 $0x1, s18  }
0xef: {  	p0 =	sne.s32 s18, s7  }
.Ltmp3:
0xf0: {  	_ = 	snop;
	(pc) =	sbr.rel @p0 .LBB2_1-.Ltmp3, $4  }
0xf1: {  	_ = 	snop  }
0xf2: {  	_ =	swait.ge [sflag:s17], $0x6400  }
0xf3: {  	[sflag:s17] =	ssyncset.done $0x0  }
0xf4: {  	[sflag:s17] =	ssyncadd.s32 $0xFFFF9C00  }
0xf5: {  	_ =	sfence.sel $0x180000  }
0xf6: {  	[bflag:$0x0] =	sbarrier.arrive $0xFFFF  }
0xf7: {  	p0 =	sne.s32 s0, $0x0;
	_ =	strace $0x90000047  }
0xf8: {  	s0 =	sadd.s32 @!p0 $0x100000, s1;
	[bflag:$0x2] =	sbarrier.arrive $0xFFFF  }
0xf9: {  	[sflag:s0] =	ssyncadd.tile.s32 @!p0 $0x1;
	_ =	shalt  }
.Lfunc_end2:
_tile_overlayer_lowered:
.L_overlay_start_2:
0xfa: {  	(tag) =	ssettag $0x2  }
0xfb: {  	s0 =	rddreg [dreg:$0x0];
	s2 =	stileid.u32  }
0xfc: {  	s1 =	rddreg [dreg:$0x1];
	p0 =	sne.s32 s2, $0x0  }
0xfd: {  	s3 =	rddreg [dreg:$0x2];
	[bflag:$0x3] =	sbarrier.arrive $0xFFFF;
	s2 =	simm.s32 @!p0 $0x1C05  }
0xfe: {  	[timem:s3], [sflag:s2] =	dma.local @!p0 [hbm:s0], s1  }
0xff: {  	s0 =	simm.s32 @!p0 $0x5  }
0x100: {  	_ =	swait.ge @!p0 [sflag:s0], s1  }
0x101: {  	s1 =	ssub.s32 @!p0 $0x0, s1;
	[sflag:s0] =	ssyncset.done @!p0 $0x0  }
0x102: {  	[sflag:s0] =	ssyncadd.s32 @!p0 s1  }
0x103: {  	[bflag:$0x3] =	sbarrier.arrive $0xFFFF  }
0x104: {  	_ =	shalt  }

// kernel: sparse-core-data-format-call.cloned.1.call-start
scs
called_computation_lowered:
.L_overlay_start_0:
0x0: {  	s2 =	sld [smem:$0x3FD9]  }
0x1: {  	s3 =	sld [smem:$0x3FFE];
	_ =	sdelay $0x1  }
0x2: {  	s1 =	srdreg.scid  }
0x3: {  	s0 =	sand.u32 $0x1, s1  }
0x4: {  	s18 =	sshll.u32 s0, $0xA;
	s2 =	sadd.s32 s3, s2  }
0x5: {  	s2 =	sadd.s32 s2, s18  }
0x6: {  	[smem:$0x3FC6] =	sst s2  }
0x7: {  	_ = 	snop  }
0x8: {  	s2 =	sld [smem:$0x3FD0];
	(tm) =	ssettm $0x1  }
0x9: {  	s19 =	sld [smem:$0x3FFB];
	_ =	sdelay $0x3  }
0xa: {  	_ =	strace s19  }
0xb: {  	s3 =	sld [smem:$0x3FFC];
	_ =	sdelay $0x3  }
0xc: {  	_ =	strace s3  }
0xd: {  	s3 =	sld [smem:$0x3FFD];
	_ =	sdelay $0x3  }
0xe: {  	_ =	strace s3  }
0xf: {  	_ =	strace $0x8FFFFFFF  }
0x10: {  	s20 =	sld [smem:$0x3FDB];
	_ =	sdelay $0x1  }
0x11: {  	s4 =	simm.s32 $_scs_section_size  }
0x12: {  	s5 =	simm.s32 $_size__tile_overlayer_lowered;
	s6 =	simm.s32 $_tile_overlayer_lowered  }
0x13: {  	s23 =	simm.s32 $0x1BFF;
	s22 =	sshll.u32 s6, $0x1;
	s3 =	sadd.s32 s4, s20  }
0x14: {  	s7 =	simm.s32 $0x0;
	s21 =	sshll.u32 s5, $0x1;
	s5 =	sadd.s32 s22, s3  }
0x15: {  	[timem:s7], [sflag:s23] =	dma.local [hbm:s5], s21  }
0x16: {  	_ =	swait.ge [sflag:s23], s21  }
0x17: {  	s4 =	ssub.s32 $0x0, s21;
	[sflag:s23] =	ssyncset.done $0x0  }
0x18: {  	[sflag:s23] =	ssyncadd.s32 s4;
	_ =	sdelay $0x1  }
0x19: {  	s24 =	simm.s32 $0x1B8B  }
0x1a: {  	_ =	swait.ge [sflag:s24], $0x1  }
0x1b: {  	[sflag:s24] =	ssyncset.done $0x0  }
0x1c: {  	s26 =	simm.s32 $0x1B8E;
	s25 =	sld [smem:$0x3FFE];
	[sflag:s24] =	ssyncadd.s32 $0xFFFFFFFF  }
0x1d: {  	s27 =	simm.s32 $execute0_lowered;
	[smem:$0x3FD2] =	sst s26  }
0x1e: {  	s5 =	sshll.u32 s27, $0x1;
	_ =	strace $0x80000049;
	[dreg:$0x1] =	wrdreg $0xFFFFFFFF  }
0x1f: {  	s28 =	simm.s32 $_size_execute0_lowered;
	s3 =	sadd.s32 s3, s5;
	[dreg:$0x0] =	wrdreg $0x0  }
0x20: {  	s5 =	sshll.u32 s28, $0x1;
	[dreg:$0x2] =	wrdreg s3  }
0x21: {  	[dreg:$0x3] =	wrdreg s5  }
0x22: {  	[dreg:$0x4] =	wrdreg $0xC0  }
0x23: {  	_ =	task [dreg:s7], $0x5FFFF  }
0x24: {  	[dreg:$0x1] =	wrdreg $0xFFFFFFFF  }
0x25: {  	[dreg:$0x0] =	wrdreg $0x60  }
0x26: {  	[dreg:$0x2] =	wrdreg s25  }
0x27: {  	[dreg:$0x3] =	wrdreg s2  }
0x28: {  	[dreg:$0x4] =	wrdreg $0x9  }
0x29: {  	_ =	task.clear_ibuf [dreg:s7], $0x5FFFF;
	_ =	strace $0x90000049  }
0x2a: {  	s29 =	simm.s32 $0x9;
	_ =	strace $0x8000004B  }
0x2b: {  	_ =	swait.ge [sflag:s29], $0x1  }
0x2c: {  	[sflag:s29] =	ssyncadd.s32 $0xFFFFFFFF  }
0x2d: {  	_ =	strace $0x9000004B  }
0x2e: {  	_ =	sfence  }
0x2f: {  	s30 =	sld [smem:$0x0];
	_ =	sdelay $0x2  }
0x30: {  	s31 =	sshll.u32 s1, $0xD;
	s1 =	sshrl.u32 s1, $0x2  }
0x31: {  	s3 =	sand.u32 $0x4000, s31;
	s1 =	sadd.s32 s1, s30  }
0x32: {  	s0 =	sor.u32 s3, s0;
	s1 =	sshll.u32 s1, $0x11  }
0x33: {  	s0 =	sor.u32 s1, s0  }
0x34: {  	s0 =	sadd.s32 $0x8F2B, s0  }
0x35: {  	[sflag:s0] =	ssyncadd.remote.s32 $0x1  }
0x36: {  	_ =	sfence.sel $0xFFFF  }
0x37: {  	[dreg:$0x0] =	wrdreg $0xFFFFFFFF;
	(pc) =	sbr.abs _section_cstart, $3  }
0x38: {  	[dreg:$0x1] =	wrdreg $0xFFFFFFFF  }
0x39: {  	_ =	task.clear_ibuf [dreg:s7], $0x2FFFF;
	_ =	strace $0x9FFFFFFF  }
0x3a: {  	(tm) =	ssettm $0x7FFFFFFF  }
0x3b: {  	_ =	shalt  }
tec
execute0_lowered:
.L_overlay_start_1:
0x0: {  	(tag) =	ssettag $0x1  }
0x1: {  	s0 =	srdreg.scid  }
0x2: {  	s1 =	sshll.u32 s0, $0x4  }
0x3: {  	s0 =	stileid.u32;
	s1 =	sand.u32 $0x10, s1  }
0x4: {  	s1 =	sor.u32 s0, s1  }
0x5: {  	s6 =	rddreg [dreg:$0x0];
	s4 =	simm.s32 $0x1;
	s2 =	sshll.u32 s1, $0x7  }
0x6: {  	s7 =	simm.s32 $0x2;
	s12 =	simm.s32 $0x0;
	s1 =	ssub.s32 $0x1000, s2  }
0x7: {  	s8 =	simm.s32 $0x8000;
	s13 =	simm.s32 $0x0;
	s3 =	sand.u32 $0xF80, s1  }
0x8: {  	s9 =	simm.s32 $0x0;
	s5 =	sshrl.u32 s1, $0xC;
	p0 =	sne.s32 s3, $0x0  }
.Ltmp0:
0x9: {  	s1 =	rddreg [dreg:$0x2];
	s4 =	simm.s32 @!p0 $0x0;
	(pc) =	sbr.rel .LBB1_1-.Ltmp0, $4  }
0xa: {  	s11 =	simm.s32 $0x0;
	s3 =	rddreg [dreg:$0x1];
	s5 =	sadd.s32 s4, s5  }
0xb: {  	_ =	strace $0x8000004A;
	s4 =	simm.s32 $0x1;
	s5 =	smul.u32 $0xC8, s5  }
0xc: {  	s6 =	sadd.s32 $0xA00, s6;
	s10 =	smov.u32 s2;
	[sflag:s4] =	ssyncpa.u1 $0x0  }
0xd: {  	p0 =	por $0x0, $0x0;
	[sflag:s7] =	ssyncpa.u1 $0x0;
	s7 =	sor.u32 $0x1, s5  }
.LBB1_4:
0xe: {  	s16 =	sshll.u32 s13, $0x3;
	s17 =	sand.u32 $0x78, s13  }
0xf: {  	s30 =	sand.u32 $0x7E00, s13;
	s12 =	sshll.u32 s12, $0xF;
	s16 =	sand.u32 $0xC00, s16  }
0x10: {  	[tilespmem:s15+$0x810 ss:$0x81] =	vst.msk $0xffff, v2;
	s31 =	sand.u32 $0x7, s13;
	s16 =	sor.u32 s17, s16;
	s17 =	sadd.s32 s3, s30  }
0x11: {  	[tilespmem:s15+$0x1020 ss:$0x81] =	vst.msk $0xffff, v0;
	s13 =	sshll.u32 s31, $0x12;
	s12 =	sadd.s32 s12, s17;
	s16 =	sshrl.u32 s16, $0x3  }
0x12: {  	[tilespmem:s15+$0x0 ss:$0x81] =	vst.msk $0xffff, v1;
	s13 =	sor.u32 $0x400, s13;
	s12 =	sadd.s32 s16, s12  }
0x13: {  	[hbm4b:s12+s13] =	stream.strided.scatter [tilespmem:s14], [sflag:$0x2], $0x2000, s8, s13, $0x20;
	[tilespmem:$0x8080] =	vst v63  }
.LBB1_5:
0x14: {  	s14 =	sadd.s32 $0x1, s9  }
0x15: {  	s12 =	sadd.s32 $0x1000, s10;
	s16 =	smov.u32 s10;
	p2 =	sgt.s32 s14, $0xC7  }
0x16: {  	s16 =	smov.u32 @p2 s12  }
0x17: {  	s14 =	simm.s32 @p2 $0x0;
	p2 =	sgt.s32 s16, $0xFFF  }
0x18: {  	s16 =	smov.u32 @p2 s2;
	p2 =	sne.s32 s11, s7  }
.Ltmp1:
0x19: {  	p1 =	slt.u32 s11, $0x2;
	(pc) =	sbr.rel @!p2 .LBB1_6-.Ltmp1, $4  }
0x1a: {  	s15 =	simm.s32 @!p1 $0x2  }
0x1b: {  	s13 =	smov.u32 s10;
	p0 =	por !p0, !p0;
	_ =	swait.ge @!p1 [sflag:s15], $0x2000  }
0x1c: {  	s12 =	smov.u32 s9;
	[sflag:s15] =	ssyncset.done @!p1 $0x0;
	s9 =	smov.u32 s14  }
0x1d: {  	s11 =	sadd.s32 $0x1, s11;
	[sflag:s15] =	ssyncadd.s32 @!p1 $0xFFFFE000;
	s10 =	smov.u32 s16  }
.LBB1_1:
0x1e: {  	p1 =	sge.u32 s11, s5  }
0x1f: {  	s14 =	sand.u32 @!p1 $0x1FFFFFF, s9  }
0x20: {  	s15 =	smulhi.u32 @!p1 $0x147AE15, s14;
	_ =	sdelay $0x1  }
0x21: {  	s15 =	smul.u32 @!p1 $0xC8, s15  }
0x22: {  	s16 =	sxor.u32 @!p1 $0xFFFFFFFF, s11;
	s17 =	smul.u32 @!p1 $0xC80, s10  }
0x23: {  	s31 =	sadd.s32 $0xFFFFFFFF, s11;
	s16 =	sshll.u32 @!p1 s16, $0xD;
	s14 =	ssub.s32 @!p1 s14, s15  }
0x24: {  	s15 =	sand.u32 @!p1 $0x2000, s16;
	s16 =	sadd.s32 @!p1 s6, s17;
	s14 =	sshll.u32 @!p1 s14, $0x4  }
0x25: {  	s17 =	simm.s32 @!p1 $0x6400;
	s14 =	sadd.s32 @!p1 s14, s16;
	s16 =	simm.s32 @!p1 $0x40  }
0x26: {  	[tilespmem:s15], [sflag:$0x1] =	stream.strided.gather @!p1 [hbm4b:s14+s16], $0x2000, s17, s16, $0x38;
	[tilespmem:$0x8080] =	vst v63  }
0x27: {  	p1 =	sge.u32 s31, s5  }
.Ltmp2:
0x28: {  	_ = 	snop;
	(pc) =	sbr.rel @p1 .LBB1_5-.Ltmp2, $1  }
0x29: {  	_ =	sdelay $0x3  }
0x2a: {  	s14 =	simm.s32 $0x1  }
0x2b: {  	_ =	swait.ge [sflag:s4], $0x2000;
	s14 =	simm.s32 @!p0 $0x0  }
0x2c: {  	[sflag:s4] =	ssyncset.done $0x0;
	s15 =	sshll.u32 s14, $0xD  }
0x2d: {  	[sflag:s4] =	ssyncadd.s32 $0xFFFFE000;
	s18 =	sor.u32 $0x20, s15  }
0x2e: {  	s14 =	smul.u32 $0x8100, s14;
	v3 =	vld [tilespmem:s18+$0x10]  }
0x2f: {  	s30 =	sand.u32 $0x1, s11;
	v2 =	vld [tilespmem:s18+$0xFFFFFFF0]  }
0x30: {  	s15 =	smul.u32 $0x8100, s30;
	s14 =	sshrl.u32 s14, $0x2;
	v0 =	vld [tilespmem:s18+$0x0]  }
0x31: {  	v1 =	vld [tilespmem:s18+$0xFFFFFFE0];
	s16 =	sor.u32 $0x4000, s14  }
0x32: {  	s31 =	sshrl.u32 s15, $0x2;
	s15 =	sadd.s32 $0x0, s16  }
0x33: {  	s17 =	simm.s32 $0x4;
	s18 =	sadd.s32 $0x40, s18;
	s14 =	sor.u32 $0x4000, s31;
	[tilespmem:s15+$0x1830 ss:$0x81] =	vst.msk $0xffff, v3  }
.LBB1_3:
0x34: {  	v3 =	vld [tilespmem:s18+$0x10];
	p1 =	sne.s32 s17, $0x1FC;
	[tilespmem:s15+$0x810 ss:$0x81] =	vst.msk $0xffff, v2;
	s19 =	smov.u32 s17;
	s17 =	sadd.s32 $0x4, s17  }
.Ltmp3:
0x35: {  	v2 =	vld [tilespmem:s18+$0xFFFFFFF0];
	[tilespmem:s15+$0x1020 ss:$0x81] =	vst.msk $0xffff, v0;
	(pc) =	sbr.rel @p1 .LBB1_3-.Ltmp3, $4  }
0x36: {  	v0 =	vld [tilespmem:s18+$0x0];
	[tilespmem:s15+$0x0 ss:$0x81] =	vst.msk $0xffff, v1  }
0x37: {  	s15 =	sshra.s32 s19, $0x2;
	v1 =	vld [tilespmem:s18+$0xFFFFFFE0]  }
0x38: {  	s15 =	sadd.s32 s15, s16  }
0x39: {  	s18 =	sadd.s32 $0x40, s18;
	[tilespmem:s15+$0x1830 ss:$0x81] =	vst.msk $0xffff, v3  }
.Ltmp4:
0x3a: {  	_ = 	snop;
	(pc) =	sbr.rel .LBB1_4-.Ltmp4, $1  }
0x3b: {  	_ =	sdelay $0x3  }
.LBB1_6:
0x3c: {  	_ =	sfence.sel $0x180000  }
0x3d: {  	s2 =	simm.s32 $0x1;
	[bflag:$0x0] =	sbarrier.arrive $0xFFFF  }
0x3e: {  	s31 =	simm.s32 $0x2;
	[sflag:s2] =	ssyncpa.u1 $0x1  }
0x3f: {  	[sflag:s31] =	ssyncpa.u1 $0x1  }
0x40: {  	p0 =	sne.s32 s0, $0x0;
	_ =	strace $0x9000004A  }
0x41: {  	s0 =	sadd.s32 @!p0 $0x100000, s1;
	[bflag:$0x2] =	sbarrier.arrive $0xFFFF  }
0x42: {  	[sflag:s0] =	ssyncadd.tile.s32 @!p0 $0x1;
	_ =	shalt  }
.Lfunc_end1:
_tile_overlayer_lowered:
.L_overlay_start_2:
0x43: {  	(tag) =	ssettag $0x2  }
0x44: {  	s0 =	rddreg [dreg:$0x0];
	s2 =	stileid.u32  }
0x45: {  	s1 =	rddreg [dreg:$0x1];
	p0 =	sne.s32 s2, $0x0  }
0x46: {  	s3 =	rddreg [dreg:$0x2];
	[bflag:$0x3] =	sbarrier.arrive $0xFFFF;
	s2 =	simm.s32 @!p0 $0x1C01  }
0x47: {  	[timem:s3], [sflag:s2] =	dma.local @!p0 [hbm:s0], s1  }
0x48: {  	s0 =	simm.s32 @!p0 $0x1  }
0x49: {  	_ =	swait.ge @!p0 [sflag:s0], s1  }
0x4a: {  	s1 =	ssub.s32 @!p0 $0x0, s1;
	[sflag:s0] =	ssyncset.done @!p0 $0x0  }
0x4b: {  	[sflag:s0] =	ssyncadd.s32 @!p0 s1  }
0x4c: {  	[bflag:$0x3] =	sbarrier.arrive $0xFFFF  }
0x4d: {  	_ =	shalt  }

</sc_bundles>
